<compile_context>
chip_gen: v7x
topology: tpu7x:2x2x1
jax: 0.10.2.dev20260603
libtpu: 0.0.44.dev20260713+nightly
codegen_flags: <defaults>
</compile_context>

<pallas_src>
import functools

import jax
import jax.numpy as jnp
import numpy as np
from jax import lax
from jax.experimental import pallas as pl
from jax.experimental.pallas import tpu as pltpu
from jax.experimental.pallas import tpu_sc as plsc

NC = 2
NS = 16
NW = NC * NS

STREAM = 128
NBUF = 4


def _positional_encoding(model_size, sequence_length):
    pos = np.arange(sequence_length, dtype=np.float64)[:, None]
    i = np.arange(model_size, dtype=np.float64)[None, :]
    exponent = np.where(i % 2 == 0, i, i - 1) / model_size
    angle = pos / np.power(10000.0, exponent)
    pe = np.where(i % 2 == 0, np.sin(angle), np.cos(angle))
    return pe.astype(np.float32)


def _pe_phases(dim, seq, dim_pad):
    n_phases = seq // np.gcd(STREAM, seq)
    pe = _positional_encoding(dim, seq)
    out = np.zeros((n_phases, STREAM, dim_pad), dtype=np.float32)
    for k in range(n_phases):
        o = (STREAM * k) % seq
        rows = (o + np.arange(STREAM)) % seq
        out[k, :, :dim] = pe[rows]
    return out


@functools.partial(jax.jit, static_argnums=(3,))
def _sc_embed(idx, pe_all, table, n_streams):
    n_phases, _, dpad = pe_all.shape
    b_per_w = n_streams * STREAM
    B = NW * b_per_w

    mesh = plsc.VectorSubcoreMesh(
        core_axis_name="c", subcore_axis_name="s",
        num_cores=NC, num_subcores=NS)

    @functools.partial(
        pl.kernel,
        mesh=mesh,
        out_type=jax.ShapeDtypeStruct((B, dpad), jnp.float32),
        scratch_types=[
            pltpu.VMEM((n_streams, STREAM), jnp.int32),
            pltpu.VMEM((NBUF, STREAM, dpad), jnp.float32),
            pltpu.VMEM_SHARED((n_phases, STREAM, dpad), jnp.float32),
            pltpu.SemaphoreType.DMA((NBUF,)),
            pltpu.SemaphoreType.DMA((NBUF,)),
            pltpu.SemaphoreType.DMA((NBUF,)),
        ],
    )
    def k(idx_hbm, pe_hbm, table_hbm, out_hbm,
          idx_v, rows_v, pe_sh, psem, gsem, osem):
        tview = table_hbm
        sid = lax.axis_index("s")
        wid = sid * NC + lax.axis_index("c")
        base = wid * b_per_w

        @pl.when(sid == 0)
        def _():
            pltpu.sync_copy(pe_hbm, pe_sh)
        pltpu.sync_copy(idx_hbm.at[wid], idx_v)
        plsc.subcore_barrier()

        def mi_body(mi, _):
            for b in range(NBUF):
                j = mi * NBUF + b

                @pl.when(mi >= 1)
                def _(b=b):
                    pltpu.make_async_copy(
                        rows_v.at[b], out_hbm.at[pl.ds(0, STREAM)],
                        osem.at[b]).wait()
                pltpu.async_copy(
                    pe_sh.at[lax.rem(j, n_phases)], rows_v.at[b], psem.at[b])

            for b in range(NBUF):
                j = mi * NBUF + b
                pltpu.make_async_copy(
                    pe_sh.at[0], rows_v.at[b], psem.at[b]).wait()
                pltpu.async_copy(
                    tview.at[idx_v.at[j]], rows_v.at[b],
                    gsem.at[b], add=True)

            for b in range(NBUF):
                j = mi * NBUF + b
                pltpu.make_async_copy(
                    tview.at[idx_v.at[j]], rows_v.at[b], gsem.at[b]).wait()
                pltpu.async_copy(
                    rows_v.at[b],
                    out_hbm.at[pl.ds(base + j * STREAM, STREAM)], osem.at[b])
            return ()

        lax.fori_loop(0, n_streams // NBUF, mi_body, ())

        for b in range(NBUF):
            pltpu.make_async_copy(
                rows_v.at[b], out_hbm.at[pl.ds(0, STREAM)], osem.at[b]).wait()

    return k(idx, pe_all, table)


def kernel(inputs, table):
    batch, seq = inputs.shape
    vocab, dim = table.shape
    B = batch * seq
    dpad = 128
    assert B % (NW * STREAM) == 0
    n_streams = B // (NW * STREAM)
    assert (n_streams * STREAM) % seq == 0

    table128 = jnp.pad(table, ((0, 0), (0, dpad - dim)))
    idx = inputs.astype(jnp.int32).reshape(NW, n_streams, STREAM)
    pe_all = jnp.asarray(_pe_phases(dim, seq, dpad))
    out = _sc_embed(idx, pe_all, table128, n_streams)
    return out.reshape(batch, seq, dpad)[:, :, :dim]

# --- scband reference (transcript-rebuilt; emitter-appended) ---
"""Pipeline reference for scband-embeddings-48490180772332 (READ-ONLY COPY).

The authoritative reference and input builder live on the scoring server;
editing this copy changes nothing except your own understanding.
"""

import jax, jax.numpy as jnp
import numpy as np

BATCH = 4096
SEQ = 200
VOCAB = 1000000
DIM = 64


def positional_encoding(model_size, sequence_length):
    pos = np.arange(sequence_length, dtype=np.float64)[:, None]
    i = np.arange(model_size, dtype=np.float64)[None, :]
    exponent = np.where(i % 2 == 0, i, i - 1) / model_size
    angle = pos / np.power(10000.0, exponent)
    pe = np.where(i % 2 == 0, np.sin(angle), np.cos(angle))
    pe = pe[None, :, :]
    return jnp.asarray(pe, dtype=jnp.float32)


def setup_inputs(seed: int = 0) -> dict:
    key = jax.random.key(seed)
    k1, k2 = jax.random.split(key)
    inputs = jax.random.randint(k1, (BATCH, SEQ), 0, VOCAB, dtype=jnp.int64)
    table = jax.random.normal(k2, (VOCAB, DIM), dtype=jnp.float32) * 0.02
    return {"inputs": inputs, "table": table}


def reference(inputs, table):
    # token embedding lookup (gather)
    embedded_tokens = jnp.take(table, inputs, axis=0)
    # fixed (non-learned) sinusoidal positional encoding
    embedded_positions = positional_encoding(DIM, SEQ)
    return embedded_tokens + embedded_positions

if __name__ == "__main__":
    import jax
    _d = setup_inputs()
    print(jax.jit(kernel)(*tuple(_d.values())))

</pallas_src>

<mosaic_0001>
#map = affine_map<(d0, d1) -> (0, 0, 0)>
#map1 = affine_map<(d0, d1) -> (0, 0)>
module attributes {stable_mosaic.version = 14 : i64} {
  func.func @k(%arg0: i32, %arg1: i32, %arg2: memref<32x200x128xi32, #tpu.memory_space<hbm>>, %arg3: memref<25x128x128xf32, #tpu.memory_space<hbm>>, %arg4: memref<1000000x128xf32, #tpu.memory_space<hbm>>, %arg5: memref<819200x128xf32, #tpu.memory_space<hbm>>, %arg6: memref<200x128xi32, #tpu.memory_space<vmem>>, %arg7: memref<4x128x128xf32, #tpu.memory_space<vmem>>, %arg8: memref<25x128x128xf32, #tpu.memory_space<vmem_shared>>, %arg9: memref<4x!tpu.dma_semaphore, #tpu.memory_space<semaphore_mem>>, %arg10: memref<4x!tpu.dma_semaphore, #tpu.memory_space<semaphore_mem>>, %arg11: memref<4x!tpu.dma_semaphore, #tpu.memory_space<semaphore_mem>>) attributes {dimension_semantics = [#tpu.dimension_semantics<core_parallel>, #tpu.dimension_semantics<subcore_parallel>], iteration_bounds = array<i64: 2, 16>, scalar_prefetch = 0 : i64, scratch_operands = 6 : i64, tpu.core_type = #tpu.core_type<sc_vector_subcore>, window_params = [{transform_indices = #map}, {transform_indices = #map}, {transform_indices = #map1}, {transform_indices = #map1}]} {
    %mul3A = arith.constant 2 : i32
    %mul3A_0 = arith.muli %arg1, %mul3A : i32
    %add3A = arith.addi %mul3A_0, %arg0 : i32
    %mul3A_1 = arith.constant 25600 : i32
    %mul3A_2 = arith.muli %add3A, %mul3A_1 : i32
    %eq3A = arith.constant 0 : i32
    %eq3A_3 = arith.cmpi eq, %arg1, %eq3A : i32
    %convert_element_type3A = arith.extui %eq3A_3 : i1 to i32
    %cond3A = arith.constant 0 : i32
    %cond3A_4 = arith.cmpi ne, %convert_element_type3A, %cond3A : i32
    scf.if %cond3A_4 {
      "tpu.region"() ({
        %run_scoped3A = tpu.sem_alloc : memref<!tpu.dma_semaphore, #tpu.memory_space<semaphore_mem>>
        tpu.enqueue_dma source(%arg3 : memref<25x128x128xf32, #tpu.memory_space<hbm>>) target(%arg8 : memref<25x128x128xf32, #tpu.memory_space<vmem_shared>>) target_semaphore(%run_scoped3A : memref<!tpu.dma_semaphore, #tpu.memory_space<semaphore_mem>>)
        tpu.wait_dma2 semaphore(%run_scoped3A : memref<!tpu.dma_semaphore, #tpu.memory_space<semaphore_mem>>) src(%arg3 : memref<25x128x128xf32, #tpu.memory_space<hbm>>) dst(%arg8 : memref<25x128x128xf32, #tpu.memory_space<vmem_shared>>)
        tpu.yield
      }) : () -> ()
    } else {
    }
    "tpu.region"() ({
      %run_scoped3A = tpu.sem_alloc : memref<!tpu.dma_semaphore, #tpu.memory_space<semaphore_mem>>
      %dma_start3A = arith.constant 0 : i32
      %dma_start3A_80 = arith.constant 0 : i32
      %dma_start3A_81 = tpu.memref_slice %arg2[%add3A, %dma_start3A, %dma_start3A_80] : memref<32x200x128xi32, #tpu.memory_space<hbm>> -> memref<1x200x128xi32, #tpu.memory_space<hbm>>
      %dma_start3A_82 = tpu.memref_squeeze %dma_start3A_81 : memref<1x200x128xi32, #tpu.memory_space<hbm>> -> memref<200x128xi32, #tpu.memory_space<hbm>>
      %dma_start3A_83 = arith.constant 0 : i32
      %dma_start3A_84 = arith.constant 0 : i32
      %dma_start3A_85 = tpu.memref_slice %arg2[%add3A, %dma_start3A_83, %dma_start3A_84] : memref<32x200x128xi32, #tpu.memory_space<hbm>> -> memref<1x200x128xi32, #tpu.memory_space<hbm>>
      %dma_start3A_86 = tpu.memref_squeeze %dma_start3A_85 : memref<1x200x128xi32, #tpu.memory_space<hbm>> -> memref<200x128xi32, #tpu.memory_space<hbm>>
      tpu.enqueue_dma source(%dma_start3A_86 : memref<200x128xi32, #tpu.memory_space<hbm>>) target(%arg6 : memref<200x128xi32, #tpu.memory_space<vmem>>) target_semaphore(%run_scoped3A : memref<!tpu.dma_semaphore, #tpu.memory_space<semaphore_mem>>)
      %dma_wait3A_87 = arith.constant 0 : i32
      %dma_wait3A_88 = arith.constant 0 : i32
      %dma_wait3A_89 = tpu.memref_slice %arg2[%add3A, %dma_wait3A_87, %dma_wait3A_88] : memref<32x200x128xi32, #tpu.memory_space<hbm>> -> memref<1x200x128xi32, #tpu.memory_space<hbm>>
      %dma_wait3A_90 = tpu.memref_squeeze %dma_wait3A_89 : memref<1x200x128xi32, #tpu.memory_space<hbm>> -> memref<200x128xi32, #tpu.memory_space<hbm>>
      %dma_wait3A_91 = arith.constant 0 : i32
      %dma_wait3A_92 = arith.constant 0 : i32
      %dma_wait3A_93 = tpu.memref_slice %arg2[%add3A, %dma_wait3A_91, %dma_wait3A_92] : memref<32x200x128xi32, #tpu.memory_space<hbm>> -> memref<1x200x128xi32, #tpu.memory_space<hbm>>
      %dma_wait3A_94 = tpu.memref_squeeze %dma_wait3A_93 : memref<1x200x128xi32, #tpu.memory_space<hbm>> -> memref<200x128xi32, #tpu.memory_space<hbm>>
      tpu.wait_dma2 semaphore(%run_scoped3A : memref<!tpu.dma_semaphore, #tpu.memory_space<semaphore_mem>>) src(%dma_wait3A_94 : memref<200x128xi32, #tpu.memory_space<hbm>>) dst(%arg6 : memref<200x128xi32, #tpu.memory_space<vmem>>)
      tpu.yield
    }) : () -> ()
    %barrier3A = arith.constant 0 : index
    tpu.barrier barrier_id(%barrier3A)
    %scan3A = arith.constant 0 : i32
    %scan3A_5 = arith.constant 50 : i32
    %scan3A_6 = arith.addi %scan3A, %scan3A_5 : i32
    %scan3A_7 = arith.constant 1 : i32
    scf.for %scan3A_80 = %scan3A to %scan3A_6 step %scan3A_7  : i32 {
      %mul3A_81 = arith.constant 4 : i32
      %mul3A_82 = arith.muli %scan3A_80, %mul3A_81 : i32
      %add3A_83 = arith.constant 0 : i32
      %add3A_84 = arith.addi %mul3A_82, %add3A_83 : i32
      %ge3A = arith.constant 1 : i32
      %ge3A_85 = arith.cmpi sge, %scan3A_80, %ge3A : i32
      %convert_element_type3A_86 = arith.extui %ge3A_85 : i1 to i32
      %cond3A_87 = arith.constant 0 : i32
      %cond3A_88 = arith.cmpi ne, %convert_element_type3A_86, %cond3A_87 : i32
      scf.if %cond3A_88 {
        %dma_wait3A_506 = arith.constant 0 : i32
        %dma_wait3A_507 = arith.constant 0 : i32
        %dma_wait3A_508 = arith.constant 0 : i32
        %dma_wait3A_509 = arith.constant 0 : i32
        %dma_wait3A_510 = tpu.memref_slice %arg7[%dma_wait3A_506, %dma_wait3A_508, %dma_wait3A_509] : memref<4x128x128xf32, #tpu.memory_space<vmem>> -> memref<1x128x128xf32, #tpu.memory_space<vmem>>
        %dma_wait3A_511 = tpu.memref_squeeze %dma_wait3A_510 : memref<1x128x128xf32, #tpu.memory_space<vmem>> -> memref<128x128xf32, #tpu.memory_space<vmem>>
        %dma_wait3A_512 = arith.constant 0 : i32
        %dma_wait3A_513 = arith.constant 0 : i32
        %dma_wait3A_514 = tpu.memref_slice %arg5[%dma_wait3A_512, %dma_wait3A_513] : memref<819200x128xf32, #tpu.memory_space<hbm>> -> memref<128x128xf32, #tpu.memory_space<hbm>>
        %dma_wait3A_515 = tpu.memref_slice %arg11[%dma_wait3A_507] : memref<4x!tpu.dma_semaphore, #tpu.memory_space<semaphore_mem>> -> memref<1x!tpu.dma_semaphore, #tpu.memory_space<semaphore_mem>>
        %dma_wait3A_516 = tpu.memref_squeeze %dma_wait3A_515 : memref<1x!tpu.dma_semaphore, #tpu.memory_space<semaphore_mem>> -> memref<!tpu.dma_semaphore, #tpu.memory_space<semaphore_mem>>
        %dma_wait3A_517 = arith.constant 0 : i32
        %dma_wait3A_518 = arith.constant 0 : i32
        %dma_wait3A_519 = tpu.memref_slice %arg5[%dma_wait3A_517, %dma_wait3A_518] : memref<819200x128xf32, #tpu.memory_space<hbm>> -> memref<128x128xf32, #tpu.memory_space<hbm>>
        %dma_wait3A_520 = arith.constant 0 : i32
        %dma_wait3A_521 = arith.constant 0 : i32
        %dma_wait3A_522 = tpu.memref_slice %arg7[%dma_wait3A_506, %dma_wait3A_520, %dma_wait3A_521] : memref<4x128x128xf32, #tpu.memory_space<vmem>> -> memref<1x128x128xf32, #tpu.memory_space<vmem>>
        %dma_wait3A_523 = tpu.memref_squeeze %dma_wait3A_522 : memref<1x128x128xf32, #tpu.memory_space<vmem>> -> memref<128x128xf32, #tpu.memory_space<vmem>>
        tpu.wait_dma2 semaphore(%dma_wait3A_516 : memref<!tpu.dma_semaphore, #tpu.memory_space<semaphore_mem>>) src(%dma_wait3A_523 : memref<128x128xf32, #tpu.memory_space<vmem>>) dst(%dma_wait3A_519 : memref<128x128xf32, #tpu.memory_space<hbm>>)
      } else {
      }
      %rem3A = arith.constant 25 : i32
      %rem3A_89 = arith.remsi %add3A_84, %rem3A : i32
      %dma_start3A = arith.constant 0 : i32
      %dma_start3A_90 = arith.constant 0 : i32
      %dma_start3A_91 = arith.constant 0 : i32
      %dma_start3A_92 = arith.constant 0 : i32
      %dma_start3A_93 = tpu.memref_slice %arg7[%dma_start3A, %dma_start3A_91, %dma_start3A_92] : memref<4x128x128xf32, #tpu.memory_space<vmem>> -> memref<1x128x128xf32, #tpu.memory_space<vmem>>
      %dma_start3A_94 = tpu.memref_squeeze %dma_start3A_93 : memref<1x128x128xf32, #tpu.memory_space<vmem>> -> memref<128x128xf32, #tpu.memory_space<vmem>>
      %dma_start3A_95 = arith.constant 0 : i32
      %dma_start3A_96 = arith.constant 0 : i32
      %dma_start3A_97 = tpu.memref_slice %arg8[%rem3A_89, %dma_start3A_95, %dma_start3A_96] : memref<25x128x128xf32, #tpu.memory_space<vmem_shared>> -> memref<1x128x128xf32, #tpu.memory_space<vmem_shared>>
      %dma_start3A_98 = tpu.memref_squeeze %dma_start3A_97 : memref<1x128x128xf32, #tpu.memory_space<vmem_shared>> -> memref<128x128xf32, #tpu.memory_space<vmem_shared>>
      %dma_start3A_99 = tpu.memref_slice %arg9[%dma_start3A_90] : memref<4x!tpu.dma_semaphore, #tpu.memory_space<semaphore_mem>> -> memref<1x!tpu.dma_semaphore, #tpu.memory_space<semaphore_mem>>
      %dma_start3A_100 = tpu.memref_squeeze %dma_start3A_99 : memref<1x!tpu.dma_semaphore, #tpu.memory_space<semaphore_mem>> -> memref<!tpu.dma_semaphore, #tpu.memory_space<semaphore_mem>>
      %dma_start3A_101 = arith.constant 0 : i32
      %dma_start3A_102 = arith.constant 0 : i32
      %dma_start3A_103 = tpu.memref_slice %arg7[%dma_start3A, %dma_start3A_101, %dma_start3A_102] : memref<4x128x128xf32, #tpu.memory_space<vmem>> -> memref<1x128x128xf32, #tpu.memory_space<vmem>>
      %dma_start3A_104 = tpu.memref_squeeze %dma_start3A_103 : memref<1x128x128xf32, #tpu.memory_space<vmem>> -> memref<128x128xf32, #tpu.memory_space<vmem>>
      %dma_start3A_105 = arith.constant 0 : i32
      %dma_start3A_106 = arith.constant 0 : i32
      %dma_start3A_107 = tpu.memref_slice %arg8[%rem3A_89, %dma_start3A_105, %dma_start3A_106] : memref<25x128x128xf32, #tpu.memory_space<vmem_shared>> -> memref<1x128x128xf32, #tpu.memory_space<vmem_shared>>
      %dma_start3A_108 = tpu.memref_squeeze %dma_start3A_107 : memref<1x128x128xf32, #tpu.memory_space<vmem_shared>> -> memref<128x128xf32, #tpu.memory_space<vmem_shared>>
      tpu.enqueue_dma source(%dma_start3A_108 : memref<128x128xf32, #tpu.memory_space<vmem_shared>>) target(%dma_start3A_104 : memref<128x128xf32, #tpu.memory_space<vmem>>) target_semaphore(%dma_start3A_100 : memref<!tpu.dma_semaphore, #tpu.memory_space<semaphore_mem>>)
      %mul3A_109 = arith.constant 4 : i32
      %mul3A_110 = arith.muli %scan3A_80, %mul3A_109 : i32
      %add3A_111 = arith.constant 1 : i32
      %add3A_112 = arith.addi %mul3A_110, %add3A_111 : i32
      %ge3A_113 = arith.constant 1 : i32
      %ge3A_114 = arith.cmpi sge, %scan3A_80, %ge3A_113 : i32
      %convert_element_type3A_115 = arith.extui %ge3A_114 : i1 to i32
      %cond3A_116 = arith.constant 0 : i32
      %cond3A_117 = arith.cmpi ne, %convert_element_type3A_115, %cond3A_116 : i32
      scf.if %cond3A_117 {
        %dma_wait3A_506 = arith.constant 1 : i32
        %dma_wait3A_507 = arith.constant 1 : i32
        %dma_wait3A_508 = arith.constant 0 : i32
        %dma_wait3A_509 = arith.constant 0 : i32
        %dma_wait3A_510 = tpu.memref_slice %arg7[%dma_wait3A_506, %dma_wait3A_508, %dma_wait3A_509] : memref<4x128x128xf32, #tpu.memory_space<vmem>> -> memref<1x128x128xf32, #tpu.memory_space<vmem>>
        %dma_wait3A_511 = tpu.memref_squeeze %dma_wait3A_510 : memref<1x128x128xf32, #tpu.memory_space<vmem>> -> memref<128x128xf32, #tpu.memory_space<vmem>>
        %dma_wait3A_512 = arith.constant 0 : i32
        %dma_wait3A_513 = arith.constant 0 : i32
        %dma_wait3A_514 = tpu.memref_slice %arg5[%dma_wait3A_512, %dma_wait3A_513] : memref<819200x128xf32, #tpu.memory_space<hbm>> -> memref<128x128xf32, #tpu.memory_space<hbm>>
        %dma_wait3A_515 = tpu.memref_slice %arg11[%dma_wait3A_507] : memref<4x!tpu.dma_semaphore, #tpu.memory_space<semaphore_mem>> -> memref<1x!tpu.dma_semaphore, #tpu.memory_space<semaphore_mem>>
        %dma_wait3A_516 = tpu.memref_squeeze %dma_wait3A_515 : memref<1x!tpu.dma_semaphore, #tpu.memory_space<semaphore_mem>> -> memref<!tpu.dma_semaphore, #tpu.memory_space<semaphore_mem>>
        %dma_wait3A_517 = arith.constant 0 : i32
        %dma_wait3A_518 = arith.constant 0 : i32
        %dma_wait3A_519 = tpu.memref_slice %arg5[%dma_wait3A_517, %dma_wait3A_518] : memref<819200x128xf32, #tpu.memory_space<hbm>> -> memref<128x128xf32, #tpu.memory_space<hbm>>
        %dma_wait3A_520 = arith.constant 0 : i32
        %dma_wait3A_521 = arith.constant 0 : i32
        %dma_wait3A_522 = tpu.memref_slice %arg7[%dma_wait3A_506, %dma_wait3A_520, %dma_wait3A_521] : memref<4x128x128xf32, #tpu.memory_space<vmem>> -> memref<1x128x128xf32, #tpu.memory_space<vmem>>
        %dma_wait3A_523 = tpu.memref_squeeze %dma_wait3A_522 : memref<1x128x128xf32, #tpu.memory_space<vmem>> -> memref<128x128xf32, #tpu.memory_space<vmem>>
        tpu.wait_dma2 semaphore(%dma_wait3A_516 : memref<!tpu.dma_semaphore, #tpu.memory_space<semaphore_mem>>) src(%dma_wait3A_523 : memref<128x128xf32, #tpu.memory_space<vmem>>) dst(%dma_wait3A_519 : memref<128x128xf32, #tpu.memory_space<hbm>>)
      } else {
      }
      %rem3A_118 = arith.constant 25 : i32
      %rem3A_119 = arith.remsi %add3A_112, %rem3A_118 : i32
      %dma_start3A_120 = arith.constant 1 : i32
      %dma_start3A_121 = arith.constant 1 : i32
      %dma_start3A_122 = arith.constant 0 : i32
      %dma_start3A_123 = arith.constant 0 : i32
      %dma_start3A_124 = tpu.memref_slice %arg7[%dma_start3A_120, %dma_start3A_122, %dma_start3A_123] : memref<4x128x128xf32, #tpu.memory_space<vmem>> -> memref<1x128x128xf32, #tpu.memory_space<vmem>>
      %dma_start3A_125 = tpu.memref_squeeze %dma_start3A_124 : memref<1x128x128xf32, #tpu.memory_space<vmem>> -> memref<128x128xf32, #tpu.memory_space<vmem>>
      %dma_start3A_126 = arith.constant 0 : i32
      %dma_start3A_127 = arith.constant 0 : i32
      %dma_start3A_128 = tpu.memref_slice %arg8[%rem3A_119, %dma_start3A_126, %dma_start3A_127] : memref<25x128x128xf32, #tpu.memory_space<vmem_shared>> -> memref<1x128x128xf32, #tpu.memory_space<vmem_shared>>
      %dma_start3A_129 = tpu.memref_squeeze %dma_start3A_128 : memref<1x128x128xf32, #tpu.memory_space<vmem_shared>> -> memref<128x128xf32, #tpu.memory_space<vmem_shared>>
      %dma_start3A_130 = tpu.memref_slice %arg9[%dma_start3A_121] : memref<4x!tpu.dma_semaphore, #tpu.memory_space<semaphore_mem>> -> memref<1x!tpu.dma_semaphore, #tpu.memory_space<semaphore_mem>>
      %dma_start3A_131 = tpu.memref_squeeze %dma_start3A_130 : memref<1x!tpu.dma_semaphore, #tpu.memory_space<semaphore_mem>> -> memref<!tpu.dma_semaphore, #tpu.memory_space<semaphore_mem>>
      %dma_start3A_132 = arith.constant 0 : i32
      %dma_start3A_133 = arith.constant 0 : i32
      %dma_start3A_134 = tpu.memref_slice %arg7[%dma_start3A_120, %dma_start3A_132, %dma_start3A_133] : memref<4x128x128xf32, #tpu.memory_space<vmem>> -> memref<1x128x128xf32, #tpu.memory_space<vmem>>
      %dma_start3A_135 = tpu.memref_squeeze %dma_start3A_134 : memref<1x128x128xf32, #tpu.memory_space<vmem>> -> memref<128x128xf32, #tpu.memory_space<vmem>>
      %dma_start3A_136 = arith.constant 0 : i32
      %dma_start3A_137 = arith.constant 0 : i32
      %dma_start3A_138 = tpu.memref_slice %arg8[%rem3A_119, %dma_start3A_136, %dma_start3A_137] : memref<25x128x128xf32, #tpu.memory_space<vmem_shared>> -> memref<1x128x128xf32, #tpu.memory_space<vmem_shared>>
      %dma_start3A_139 = tpu.memref_squeeze %dma_start3A_138 : memref<1x128x128xf32, #tpu.memory_space<vmem_shared>> -> memref<128x128xf32, #tpu.memory_space<vmem_shared>>
      tpu.enqueue_dma source(%dma_start3A_139 : memref<128x128xf32, #tpu.memory_space<vmem_shared>>) target(%dma_start3A_135 : memref<128x128xf32, #tpu.memory_space<vmem>>) target_semaphore(%dma_start3A_131 : memref<!tpu.dma_semaphore, #tpu.memory_space<semaphore_mem>>)
      %mul3A_140 = arith.constant 4 : i32
      %mul3A_141 = arith.muli %scan3A_80, %mul3A_140 : i32
      %add3A_142 = arith.constant 2 : i32
      %add3A_143 = arith.addi %mul3A_141, %add3A_142 : i32
      %ge3A_144 = arith.constant 1 : i32
      %ge3A_145 = arith.cmpi sge, %scan3A_80, %ge3A_144 : i32
      %convert_element_type3A_146 = arith.extui %ge3A_145 : i1 to i32
      %cond3A_147 = arith.constant 0 : i32
      %cond3A_148 = arith.cmpi ne, %convert_element_type3A_146, %cond3A_147 : i32
      scf.if %cond3A_148 {
        %dma_wait3A_506 = arith.constant 2 : i32
        %dma_wait3A_507 = arith.constant 2 : i32
        %dma_wait3A_508 = arith.constant 0 : i32
        %dma_wait3A_509 = arith.constant 0 : i32
        %dma_wait3A_510 = tpu.memref_slice %arg7[%dma_wait3A_506, %dma_wait3A_508, %dma_wait3A_509] : memref<4x128x128xf32, #tpu.memory_space<vmem>> -> memref<1x128x128xf32, #tpu.memory_space<vmem>>
        %dma_wait3A_511 = tpu.memref_squeeze %dma_wait3A_510 : memref<1x128x128xf32, #tpu.memory_space<vmem>> -> memref<128x128xf32, #tpu.memory_space<vmem>>
        %dma_wait3A_512 = arith.constant 0 : i32
        %dma_wait3A_513 = arith.constant 0 : i32
        %dma_wait3A_514 = tpu.memref_slice %arg5[%dma_wait3A_512, %dma_wait3A_513] : memref<819200x128xf32, #tpu.memory_space<hbm>> -> memref<128x128xf32, #tpu.memory_space<hbm>>
        %dma_wait3A_515 = tpu.memref_slice %arg11[%dma_wait3A_507] : memref<4x!tpu.dma_semaphore, #tpu.memory_space<semaphore_mem>> -> memref<1x!tpu.dma_semaphore, #tpu.memory_space<semaphore_mem>>
        %dma_wait3A_516 = tpu.memref_squeeze %dma_wait3A_515 : memref<1x!tpu.dma_semaphore, #tpu.memory_space<semaphore_mem>> -> memref<!tpu.dma_semaphore, #tpu.memory_space<semaphore_mem>>
        %dma_wait3A_517 = arith.constant 0 : i32
        %dma_wait3A_518 = arith.constant 0 : i32
        %dma_wait3A_519 = tpu.memref_slice %arg5[%dma_wait3A_517, %dma_wait3A_518] : memref<819200x128xf32, #tpu.memory_space<hbm>> -> memref<128x128xf32, #tpu.memory_space<hbm>>
        %dma_wait3A_520 = arith.constant 0 : i32
        %dma_wait3A_521 = arith.constant 0 : i32
        %dma_wait3A_522 = tpu.memref_slice %arg7[%dma_wait3A_506, %dma_wait3A_520, %dma_wait3A_521] : memref<4x128x128xf32, #tpu.memory_space<vmem>> -> memref<1x128x128xf32, #tpu.memory_space<vmem>>
        %dma_wait3A_523 = tpu.memref_squeeze %dma_wait3A_522 : memref<1x128x128xf32, #tpu.memory_space<vmem>> -> memref<128x128xf32, #tpu.memory_space<vmem>>
        tpu.wait_dma2 semaphore(%dma_wait3A_516 : memref<!tpu.dma_semaphore, #tpu.memory_space<semaphore_mem>>) src(%dma_wait3A_523 : memref<128x128xf32, #tpu.memory_space<vmem>>) dst(%dma_wait3A_519 : memref<128x128xf32, #tpu.memory_space<hbm>>)
      } else {
      }
      %rem3A_149 = arith.constant 25 : i32
      %rem3A_150 = arith.remsi %add3A_143, %rem3A_149 : i32
      %dma_start3A_151 = arith.constant 2 : i32
      %dma_start3A_152 = arith.constant 2 : i32
      %dma_start3A_153 = arith.constant 0 : i32
      %dma_start3A_154 = arith.constant 0 : i32
      %dma_start3A_155 = tpu.memref_slice %arg7[%dma_start3A_151, %dma_start3A_153, %dma_start3A_154] : memref<4x128x128xf32, #tpu.memory_space<vmem>> -> memref<1x128x128xf32, #tpu.memory_space<vmem>>
      %dma_start3A_156 = tpu.memref_squeeze %dma_start3A_155 : memref<1x128x128xf32, #tpu.memory_space<vmem>> -> memref<128x128xf32, #tpu.memory_space<vmem>>
      %dma_start3A_157 = arith.constant 0 : i32
      %dma_start3A_158 = arith.constant 0 : i32
      %dma_start3A_159 = tpu.memref_slice %arg8[%rem3A_150, %dma_start3A_157, %dma_start3A_158] : memref<25x128x128xf32, #tpu.memory_space<vmem_shared>> -> memref<1x128x128xf32, #tpu.memory_space<vmem_shared>>
      %dma_start3A_160 = tpu.memref_squeeze %dma_start3A_159 : memref<1x128x128xf32, #tpu.memory_space<vmem_shared>> -> memref<128x128xf32, #tpu.memory_space<vmem_shared>>
      %dma_start3A_161 = tpu.memref_slice %arg9[%dma_start3A_152] : memref<4x!tpu.dma_semaphore, #tpu.memory_space<semaphore_mem>> -> memref<1x!tpu.dma_semaphore, #tpu.memory_space<semaphore_mem>>
      %dma_start3A_162 = tpu.memref_squeeze %dma_start3A_161 : memref<1x!tpu.dma_semaphore, #tpu.memory_space<semaphore_mem>> -> memref<!tpu.dma_semaphore, #tpu.memory_space<semaphore_mem>>
      %dma_start3A_163 = arith.constant 0 : i32
      %dma_start3A_164 = arith.constant 0 : i32
      %dma_start3A_165 = tpu.memref_slice %arg7[%dma_start3A_151, %dma_start3A_163, %dma_start3A_164] : memref<4x128x128xf32, #tpu.memory_space<vmem>> -> memref<1x128x128xf32, #tpu.memory_space<vmem>>
      %dma_start3A_166 = tpu.memref_squeeze %dma_start3A_165 : memref<1x128x128xf32, #tpu.memory_space<vmem>> -> memref<128x128xf32, #tpu.memory_space<vmem>>
      %dma_start3A_167 = arith.constant 0 : i32
      %dma_start3A_168 = arith.constant 0 : i32
      %dma_start3A_169 = tpu.memref_slice %arg8[%rem3A_150, %dma_start3A_167, %dma_start3A_168] : memref<25x128x128xf32, #tpu.memory_space<vmem_shared>> -> memref<1x128x128xf32, #tpu.memory_space<vmem_shared>>
      %dma_start3A_170 = tpu.memref_squeeze %dma_start3A_169 : memref<1x128x128xf32, #tpu.memory_space<vmem_shared>> -> memref<128x128xf32, #tpu.memory_space<vmem_shared>>
      tpu.enqueue_dma source(%dma_start3A_170 : memref<128x128xf32, #tpu.memory_space<vmem_shared>>) target(%dma_start3A_166 : memref<128x128xf32, #tpu.memory_space<vmem>>) target_semaphore(%dma_start3A_162 : memref<!tpu.dma_semaphore, #tpu.memory_space<semaphore_mem>>)
      %mul3A_171 = arith.constant 4 : i32
      %mul3A_172 = arith.muli %scan3A_80, %mul3A_171 : i32
      %add3A_173 = arith.constant 3 : i32
      %add3A_174 = arith.addi %mul3A_172, %add3A_173 : i32
      %ge3A_175 = arith.constant 1 : i32
      %ge3A_176 = arith.cmpi sge, %scan3A_80, %ge3A_175 : i32
      %convert_element_type3A_177 = arith.extui %ge3A_176 : i1 to i32
      %cond3A_178 = arith.constant 0 : i32
      %cond3A_179 = arith.cmpi ne, %convert_element_type3A_177, %cond3A_178 : i32
      scf.if %cond3A_179 {
        %dma_wait3A_506 = arith.constant 3 : i32
        %dma_wait3A_507 = arith.constant 3 : i32
        %dma_wait3A_508 = arith.constant 0 : i32
        %dma_wait3A_509 = arith.constant 0 : i32
        %dma_wait3A_510 = tpu.memref_slice %arg7[%dma_wait3A_506, %dma_wait3A_508, %dma_wait3A_509] : memref<4x128x128xf32, #tpu.memory_space<vmem>> -> memref<1x128x128xf32, #tpu.memory_space<vmem>>
        %dma_wait3A_511 = tpu.memref_squeeze %dma_wait3A_510 : memref<1x128x128xf32, #tpu.memory_space<vmem>> -> memref<128x128xf32, #tpu.memory_space<vmem>>
        %dma_wait3A_512 = arith.constant 0 : i32
        %dma_wait3A_513 = arith.constant 0 : i32
        %dma_wait3A_514 = tpu.memref_slice %arg5[%dma_wait3A_512, %dma_wait3A_513] : memref<819200x128xf32, #tpu.memory_space<hbm>> -> memref<128x128xf32, #tpu.memory_space<hbm>>
        %dma_wait3A_515 = tpu.memref_slice %arg11[%dma_wait3A_507] : memref<4x!tpu.dma_semaphore, #tpu.memory_space<semaphore_mem>> -> memref<1x!tpu.dma_semaphore, #tpu.memory_space<semaphore_mem>>
        %dma_wait3A_516 = tpu.memref_squeeze %dma_wait3A_515 : memref<1x!tpu.dma_semaphore, #tpu.memory_space<semaphore_mem>> -> memref<!tpu.dma_semaphore, #tpu.memory_space<semaphore_mem>>
        %dma_wait3A_517 = arith.constant 0 : i32
        %dma_wait3A_518 = arith.constant 0 : i32
        %dma_wait3A_519 = tpu.memref_slice %arg5[%dma_wait3A_517, %dma_wait3A_518] : memref<819200x128xf32, #tpu.memory_space<hbm>> -> memref<128x128xf32, #tpu.memory_space<hbm>>
        %dma_wait3A_520 = arith.constant 0 : i32
        %dma_wait3A_521 = arith.constant 0 : i32
        %dma_wait3A_522 = tpu.memref_slice %arg7[%dma_wait3A_506, %dma_wait3A_520, %dma_wait3A_521] : memref<4x128x128xf32, #tpu.memory_space<vmem>> -> memref<1x128x128xf32, #tpu.memory_space<vmem>>
        %dma_wait3A_523 = tpu.memref_squeeze %dma_wait3A_522 : memref<1x128x128xf32, #tpu.memory_space<vmem>> -> memref<128x128xf32, #tpu.memory_space<vmem>>
        tpu.wait_dma2 semaphore(%dma_wait3A_516 : memref<!tpu.dma_semaphore, #tpu.memory_space<semaphore_mem>>) src(%dma_wait3A_523 : memref<128x128xf32, #tpu.memory_space<vmem>>) dst(%dma_wait3A_519 : memref<128x128xf32, #tpu.memory_space<hbm>>)
      } else {
      }
      %rem3A_180 = arith.constant 25 : i32
      %rem3A_181 = arith.remsi %add3A_174, %rem3A_180 : i32
      %dma_start3A_182 = arith.constant 3 : i32
      %dma_start3A_183 = arith.constant 3 : i32
      %dma_start3A_184 = arith.constant 0 : i32
      %dma_start3A_185 = arith.constant 0 : i32
      %dma_start3A_186 = tpu.memref_slice %arg7[%dma_start3A_182, %dma_start3A_184, %dma_start3A_185] : memref<4x128x128xf32, #tpu.memory_space<vmem>> -> memref<1x128x128xf32, #tpu.memory_space<vmem>>
      %dma_start3A_187 = tpu.memref_squeeze %dma_start3A_186 : memref<1x128x128xf32, #tpu.memory_space<vmem>> -> memref<128x128xf32, #tpu.memory_space<vmem>>
      %dma_start3A_188 = arith.constant 0 : i32
      %dma_start3A_189 = arith.constant 0 : i32
      %dma_start3A_190 = tpu.memref_slice %arg8[%rem3A_181, %dma_start3A_188, %dma_start3A_189] : memref<25x128x128xf32, #tpu.memory_space<vmem_shared>> -> memref<1x128x128xf32, #tpu.memory_space<vmem_shared>>
      %dma_start3A_191 = tpu.memref_squeeze %dma_start3A_190 : memref<1x128x128xf32, #tpu.memory_space<vmem_shared>> -> memref<128x128xf32, #tpu.memory_space<vmem_shared>>
      %dma_start3A_192 = tpu.memref_slice %arg9[%dma_start3A_183] : memref<4x!tpu.dma_semaphore, #tpu.memory_space<semaphore_mem>> -> memref<1x!tpu.dma_semaphore, #tpu.memory_space<semaphore_mem>>
      %dma_start3A_193 = tpu.memref_squeeze %dma_start3A_192 : memref<1x!tpu.dma_semaphore, #tpu.memory_space<semaphore_mem>> -> memref<!tpu.dma_semaphore, #tpu.memory_space<semaphore_mem>>
      %dma_start3A_194 = arith.constant 0 : i32
      %dma_start3A_195 = arith.constant 0 : i32
      %dma_start3A_196 = tpu.memref_slice %arg7[%dma_start3A_182, %dma_start3A_194, %dma_start3A_195] : memref<4x128x128xf32, #tpu.memory_space<vmem>> -> memref<1x128x128xf32, #tpu.memory_space<vmem>>
      %dma_start3A_197 = tpu.memref_squeeze %dma_start3A_196 : memref<1x128x128xf32, #tpu.memory_space<vmem>> -> memref<128x128xf32, #tpu.memory_space<vmem>>
      %dma_start3A_198 = arith.constant 0 : i32
      %dma_start3A_199 = arith.constant 0 : i32
      %dma_start3A_200 = tpu.memref_slice %arg8[%rem3A_181, %dma_start3A_198, %dma_start3A_199] : memref<25x128x128xf32, #tpu.memory_space<vmem_shared>> -> memref<1x128x128xf32, #tpu.memory_space<vmem_shared>>
      %dma_start3A_201 = tpu.memref_squeeze %dma_start3A_200 : memref<1x128x128xf32, #tpu.memory_space<vmem_shared>> -> memref<128x128xf32, #tpu.memory_space<vmem_shared>>
      tpu.enqueue_dma source(%dma_start3A_201 : memref<128x128xf32, #tpu.memory_space<vmem_shared>>) target(%dma_start3A_197 : memref<128x128xf32, #tpu.memory_space<vmem>>) target_semaphore(%dma_start3A_193 : memref<!tpu.dma_semaphore, #tpu.memory_space<semaphore_mem>>)
      %mul3A_202 = arith.constant 4 : i32
      %mul3A_203 = arith.muli %scan3A_80, %mul3A_202 : i32
      %add3A_204 = arith.constant 0 : i32
      %add3A_205 = arith.addi %mul3A_203, %add3A_204 : i32
      %dma_wait3A_206 = arith.constant 0 : i32
      %dma_wait3A_207 = arith.constant 0 : i32
      %dma_wait3A_208 = arith.constant 0 : i32
      %dma_wait3A_209 = arith.constant 0 : i32
      %dma_wait3A_210 = arith.constant 0 : i32
      %dma_wait3A_211 = tpu.memref_slice %arg7[%dma_wait3A_207, %dma_wait3A_209, %dma_wait3A_210] : memref<4x128x128xf32, #tpu.memory_space<vmem>> -> memref<1x128x128xf32, #tpu.memory_space<vmem>>
      %dma_wait3A_212 = tpu.memref_squeeze %dma_wait3A_211 : memref<1x128x128xf32, #tpu.memory_space<vmem>> -> memref<128x128xf32, #tpu.memory_space<vmem>>
      %dma_wait3A_213 = arith.constant 0 : i32
      %dma_wait3A_214 = arith.constant 0 : i32
      %dma_wait3A_215 = tpu.memref_slice %arg8[%dma_wait3A_206, %dma_wait3A_213, %dma_wait3A_214] : memref<25x128x128xf32, #tpu.memory_space<vmem_shared>> -> memref<1x128x128xf32, #tpu.memory_space<vmem_shared>>
      %dma_wait3A_216 = tpu.memref_squeeze %dma_wait3A_215 : memref<1x128x128xf32, #tpu.memory_space<vmem_shared>> -> memref<128x128xf32, #tpu.memory_space<vmem_shared>>
      %dma_wait3A_217 = tpu.memref_slice %arg9[%dma_wait3A_208] : memref<4x!tpu.dma_semaphore, #tpu.memory_space<semaphore_mem>> -> memref<1x!tpu.dma_semaphore, #tpu.memory_space<semaphore_mem>>
      %dma_wait3A_218 = tpu.memref_squeeze %dma_wait3A_217 : memref<1x!tpu.dma_semaphore, #tpu.memory_space<semaphore_mem>> -> memref<!tpu.dma_semaphore, #tpu.memory_space<semaphore_mem>>
      %dma_wait3A_219 = arith.constant 0 : i32
      %dma_wait3A_220 = arith.constant 0 : i32
      %dma_wait3A_221 = tpu.memref_slice %arg7[%dma_wait3A_207, %dma_wait3A_219, %dma_wait3A_220] : memref<4x128x128xf32, #tpu.memory_space<vmem>> -> memref<1x128x128xf32, #tpu.memory_space<vmem>>
      %dma_wait3A_222 = tpu.memref_squeeze %dma_wait3A_221 : memref<1x128x128xf32, #tpu.memory_space<vmem>> -> memref<128x128xf32, #tpu.memory_space<vmem>>
      %dma_wait3A_223 = arith.constant 0 : i32
      %dma_wait3A_224 = arith.constant 0 : i32
      %dma_wait3A_225 = tpu.memref_slice %arg8[%dma_wait3A_206, %dma_wait3A_223, %dma_wait3A_224] : memref<25x128x128xf32, #tpu.memory_space<vmem_shared>> -> memref<1x128x128xf32, #tpu.memory_space<vmem_shared>>
      %dma_wait3A_226 = tpu.memref_squeeze %dma_wait3A_225 : memref<1x128x128xf32, #tpu.memory_space<vmem_shared>> -> memref<128x128xf32, #tpu.memory_space<vmem_shared>>
      tpu.wait_dma2 semaphore(%dma_wait3A_218 : memref<!tpu.dma_semaphore, #tpu.memory_space<semaphore_mem>>) src(%dma_wait3A_226 : memref<128x128xf32, #tpu.memory_space<vmem_shared>>) dst(%dma_wait3A_222 : memref<128x128xf32, #tpu.memory_space<vmem>>)
      %dma_start3A_227 = arith.constant 0 : i32
      %dma_start3A_228 = arith.constant 0 : i32
      %dma_start3A_229 = arith.constant 0 : i32
      %dma_start3A_230 = arith.constant 0 : i32
      %dma_start3A_231 = tpu.memref_slice %arg7[%dma_start3A_227, %dma_start3A_229, %dma_start3A_230] : memref<4x128x128xf32, #tpu.memory_space<vmem>> -> memref<1x128x128xf32, #tpu.memory_space<vmem>>
      %dma_start3A_232 = tpu.memref_squeeze %dma_start3A_231 : memref<1x128x128xf32, #tpu.memory_space<vmem>> -> memref<128x128xf32, #tpu.memory_space<vmem>>
      %dma_start3A_233 = arith.constant 0 : i32
      %dma_start3A_234 = tpu.memref_slice %arg6[%add3A_205, %dma_start3A_233] : memref<200x128xi32, #tpu.memory_space<vmem>> -> memref<1x128xi32, #tpu.memory_space<vmem>>
      %dma_start3A_235 = tpu.memref_squeeze %dma_start3A_234 : memref<1x128xi32, #tpu.memory_space<vmem>> -> memref<128xi32, #tpu.memory_space<vmem>>
      %dma_start3A_236 = arith.constant 0 : i32
      %dma_start3A_237 = arith.constant 0 : i32
      %dma_start3A_238 = tpu.memref_slice %arg4[%dma_start3A_236, %dma_start3A_237] : memref<1000000x128xf32, #tpu.memory_space<hbm>> -> memref<1000000x128xf32, #tpu.memory_space<hbm>>
      %dma_start3A_239 = tpu.memref_slice %arg10[%dma_start3A_228] : memref<4x!tpu.dma_semaphore, #tpu.memory_space<semaphore_mem>> -> memref<1x!tpu.dma_semaphore, #tpu.memory_space<semaphore_mem>>
      %dma_start3A_240 = tpu.memref_squeeze %dma_start3A_239 : memref<1x!tpu.dma_semaphore, #tpu.memory_space<semaphore_mem>> -> memref<!tpu.dma_semaphore, #tpu.memory_space<semaphore_mem>>
      tpu.enqueue_indirect_dma source(%dma_start3A_238 : memref<1000000x128xf32, #tpu.memory_space<hbm>>) target(%dma_start3A_232 : memref<128x128xf32, #tpu.memory_space<vmem>>) offsets(%dma_start3A_235 : memref<128xi32, #tpu.memory_space<vmem>>) semaphore(%dma_start3A_240 : memref<!tpu.dma_semaphore, #tpu.memory_space<semaphore_mem>>) {add = true}
      %mul3A_241 = arith.constant 4 : i32
      %mul3A_242 = arith.muli %scan3A_80, %mul3A_241 : i32
      %add3A_243 = arith.constant 1 : i32
      %add3A_244 = arith.addi %mul3A_242, %add3A_243 : i32
      %dma_wait3A_245 = arith.constant 0 : i32
      %dma_wait3A_246 = arith.constant 1 : i32
      %dma_wait3A_247 = arith.constant 1 : i32
      %dma_wait3A_248 = arith.constant 0 : i32
      %dma_wait3A_249 = arith.constant 0 : i32
      %dma_wait3A_250 = tpu.memref_slice %arg7[%dma_wait3A_246, %dma_wait3A_248, %dma_wait3A_249] : memref<4x128x128xf32, #tpu.memory_space<vmem>> -> memref<1x128x128xf32, #tpu.memory_space<vmem>>
      %dma_wait3A_251 = tpu.memref_squeeze %dma_wait3A_250 : memref<1x128x128xf32, #tpu.memory_space<vmem>> -> memref<128x128xf32, #tpu.memory_space<vmem>>
      %dma_wait3A_252 = arith.constant 0 : i32
      %dma_wait3A_253 = arith.constant 0 : i32
      %dma_wait3A_254 = tpu.memref_slice %arg8[%dma_wait3A_245, %dma_wait3A_252, %dma_wait3A_253] : memref<25x128x128xf32, #tpu.memory_space<vmem_shared>> -> memref<1x128x128xf32, #tpu.memory_space<vmem_shared>>
      %dma_wait3A_255 = tpu.memref_squeeze %dma_wait3A_254 : memref<1x128x128xf32, #tpu.memory_space<vmem_shared>> -> memref<128x128xf32, #tpu.memory_space<vmem_shared>>
      %dma_wait3A_256 = tpu.memref_slice %arg9[%dma_wait3A_247] : memref<4x!tpu.dma_semaphore, #tpu.memory_space<semaphore_mem>> -> memref<1x!tpu.dma_semaphore, #tpu.memory_space<semaphore_mem>>
      %dma_wait3A_257 = tpu.memref_squeeze %dma_wait3A_256 : memref<1x!tpu.dma_semaphore, #tpu.memory_space<semaphore_mem>> -> memref<!tpu.dma_semaphore, #tpu.memory_space<semaphore_mem>>
      %dma_wait3A_258 = arith.constant 0 : i32
      %dma_wait3A_259 = arith.constant 0 : i32
      %dma_wait3A_260 = tpu.memref_slice %arg7[%dma_wait3A_246, %dma_wait3A_258, %dma_wait3A_259] : memref<4x128x128xf32, #tpu.memory_space<vmem>> -> memref<1x128x128xf32, #tpu.memory_space<vmem>>
      %dma_wait3A_261 = tpu.memref_squeeze %dma_wait3A_260 : memref<1x128x128xf32, #tpu.memory_space<vmem>> -> memref<128x128xf32, #tpu.memory_space<vmem>>
      %dma_wait3A_262 = arith.constant 0 : i32
      %dma_wait3A_263 = arith.constant 0 : i32
      %dma_wait3A_264 = tpu.memref_slice %arg8[%dma_wait3A_245, %dma_wait3A_262, %dma_wait3A_263] : memref<25x128x128xf32, #tpu.memory_space<vmem_shared>> -> memref<1x128x128xf32, #tpu.memory_space<vmem_shared>>
      %dma_wait3A_265 = tpu.memref_squeeze %dma_wait3A_264 : memref<1x128x128xf32, #tpu.memory_space<vmem_shared>> -> memref<128x128xf32, #tpu.memory_space<vmem_shared>>
      tpu.wait_dma2 semaphore(%dma_wait3A_257 : memref<!tpu.dma_semaphore, #tpu.memory_space<semaphore_mem>>) src(%dma_wait3A_265 : memref<128x128xf32, #tpu.memory_space<vmem_shared>>) dst(%dma_wait3A_261 : memref<128x128xf32, #tpu.memory_space<vmem>>)
      %dma_start3A_266 = arith.constant 1 : i32
      %dma_start3A_267 = arith.constant 1 : i32
      %dma_start3A_268 = arith.constant 0 : i32
      %dma_start3A_269 = arith.constant 0 : i32
      %dma_start3A_270 = tpu.memref_slice %arg7[%dma_start3A_266, %dma_start3A_268, %dma_start3A_269] : memref<4x128x128xf32, #tpu.memory_space<vmem>> -> memref<1x128x128xf32, #tpu.memory_space<vmem>>
      %dma_start3A_271 = tpu.memref_squeeze %dma_start3A_270 : memref<1x128x128xf32, #tpu.memory_space<vmem>> -> memref<128x128xf32, #tpu.memory_space<vmem>>
      %dma_start3A_272 = arith.constant 0 : i32
      %dma_start3A_273 = tpu.memref_slice %arg6[%add3A_244, %dma_start3A_272] : memref<200x128xi32, #tpu.memory_space<vmem>> -> memref<1x128xi32, #tpu.memory_space<vmem>>
      %dma_start3A_274 = tpu.memref_squeeze %dma_start3A_273 : memref<1x128xi32, #tpu.memory_space<vmem>> -> memref<128xi32, #tpu.memory_space<vmem>>
      %dma_start3A_275 = arith.constant 0 : i32
      %dma_start3A_276 = arith.constant 0 : i32
      %dma_start3A_277 = tpu.memref_slice %arg4[%dma_start3A_275, %dma_start3A_276] : memref<1000000x128xf32, #tpu.memory_space<hbm>> -> memref<1000000x128xf32, #tpu.memory_space<hbm>>
      %dma_start3A_278 = tpu.memref_slice %arg10[%dma_start3A_267] : memref<4x!tpu.dma_semaphore, #tpu.memory_space<semaphore_mem>> -> memref<1x!tpu.dma_semaphore, #tpu.memory_space<semaphore_mem>>
      %dma_start3A_279 = tpu.memref_squeeze %dma_start3A_278 : memref<1x!tpu.dma_semaphore, #tpu.memory_space<semaphore_mem>> -> memref<!tpu.dma_semaphore, #tpu.memory_space<semaphore_mem>>
      tpu.enqueue_indirect_dma source(%dma_start3A_277 : memref<1000000x128xf32, #tpu.memory_space<hbm>>) target(%dma_start3A_271 : memref<128x128xf32, #tpu.memory_space<vmem>>) offsets(%dma_start3A_274 : memref<128xi32, #tpu.memory_space<vmem>>) semaphore(%dma_start3A_279 : memref<!tpu.dma_semaphore, #tpu.memory_space<semaphore_mem>>) {add = true}
      %mul3A_280 = arith.constant 4 : i32
      %mul3A_281 = arith.muli %scan3A_80, %mul3A_280 : i32
      %add3A_282 = arith.constant 2 : i32
      %add3A_283 = arith.addi %mul3A_281, %add3A_282 : i32
      %dma_wait3A_284 = arith.constant 0 : i32
      %dma_wait3A_285 = arith.constant 2 : i32
      %dma_wait3A_286 = arith.constant 2 : i32
      %dma_wait3A_287 = arith.constant 0 : i32
      %dma_wait3A_288 = arith.constant 0 : i32
      %dma_wait3A_289 = tpu.memref_slice %arg7[%dma_wait3A_285, %dma_wait3A_287, %dma_wait3A_288] : memref<4x128x128xf32, #tpu.memory_space<vmem>> -> memref<1x128x128xf32, #tpu.memory_space<vmem>>
      %dma_wait3A_290 = tpu.memref_squeeze %dma_wait3A_289 : memref<1x128x128xf32, #tpu.memory_space<vmem>> -> memref<128x128xf32, #tpu.memory_space<vmem>>
      %dma_wait3A_291 = arith.constant 0 : i32
      %dma_wait3A_292 = arith.constant 0 : i32
      %dma_wait3A_293 = tpu.memref_slice %arg8[%dma_wait3A_284, %dma_wait3A_291, %dma_wait3A_292] : memref<25x128x128xf32, #tpu.memory_space<vmem_shared>> -> memref<1x128x128xf32, #tpu.memory_space<vmem_shared>>
      %dma_wait3A_294 = tpu.memref_squeeze %dma_wait3A_293 : memref<1x128x128xf32, #tpu.memory_space<vmem_shared>> -> memref<128x128xf32, #tpu.memory_space<vmem_shared>>
      %dma_wait3A_295 = tpu.memref_slice %arg9[%dma_wait3A_286] : memref<4x!tpu.dma_semaphore, #tpu.memory_space<semaphore_mem>> -> memref<1x!tpu.dma_semaphore, #tpu.memory_space<semaphore_mem>>
      %dma_wait3A_296 = tpu.memref_squeeze %dma_wait3A_295 : memref<1x!tpu.dma_semaphore, #tpu.memory_space<semaphore_mem>> -> memref<!tpu.dma_semaphore, #tpu.memory_space<semaphore_mem>>
      %dma_wait3A_297 = arith.constant 0 : i32
      %dma_wait3A_298 = arith.constant 0 : i32
      %dma_wait3A_299 = tpu.memref_slice %arg7[%dma_wait3A_285, %dma_wait3A_297, %dma_wait3A_298] : memref<4x128x128xf32, #tpu.memory_space<vmem>> -> memref<1x128x128xf32, #tpu.memory_space<vmem>>
      %dma_wait3A_300 = tpu.memref_squeeze %dma_wait3A_299 : memref<1x128x128xf32, #tpu.memory_space<vmem>> -> memref<128x128xf32, #tpu.memory_space<vmem>>
      %dma_wait3A_301 = arith.constant 0 : i32
      %dma_wait3A_302 = arith.constant 0 : i32
      %dma_wait3A_303 = tpu.memref_slice %arg8[%dma_wait3A_284, %dma_wait3A_301, %dma_wait3A_302] : memref<25x128x128xf32, #tpu.memory_space<vmem_shared>> -> memref<1x128x128xf32, #tpu.memory_space<vmem_shared>>
      %dma_wait3A_304 = tpu.memref_squeeze %dma_wait3A_303 : memref<1x128x128xf32, #tpu.memory_space<vmem_shared>> -> memref<128x128xf32, #tpu.memory_space<vmem_shared>>
      tpu.wait_dma2 semaphore(%dma_wait3A_296 : memref<!tpu.dma_semaphore, #tpu.memory_space<semaphore_mem>>) src(%dma_wait3A_304 : memref<128x128xf32, #tpu.memory_space<vmem_shared>>) dst(%dma_wait3A_300 : memref<128x128xf32, #tpu.memory_space<vmem>>)
      %dma_start3A_305 = arith.constant 2 : i32
      %dma_start3A_306 = arith.constant 2 : i32
      %dma_start3A_307 = arith.constant 0 : i32
      %dma_start3A_308 = arith.constant 0 : i32
      %dma_start3A_309 = tpu.memref_slice %arg7[%dma_start3A_305, %dma_start3A_307, %dma_start3A_308] : memref<4x128x128xf32, #tpu.memory_space<vmem>> -> memref<1x128x128xf32, #tpu.memory_space<vmem>>
      %dma_start3A_310 = tpu.memref_squeeze %dma_start3A_309 : memref<1x128x128xf32, #tpu.memory_space<vmem>> -> memref<128x128xf32, #tpu.memory_space<vmem>>
      %dma_start3A_311 = arith.constant 0 : i32
      %dma_start3A_312 = tpu.memref_slice %arg6[%add3A_283, %dma_start3A_311] : memref<200x128xi32, #tpu.memory_space<vmem>> -> memref<1x128xi32, #tpu.memory_space<vmem>>
      %dma_start3A_313 = tpu.memref_squeeze %dma_start3A_312 : memref<1x128xi32, #tpu.memory_space<vmem>> -> memref<128xi32, #tpu.memory_space<vmem>>
      %dma_start3A_314 = arith.constant 0 : i32
      %dma_start3A_315 = arith.constant 0 : i32
      %dma_start3A_316 = tpu.memref_slice %arg4[%dma_start3A_314, %dma_start3A_315] : memref<1000000x128xf32, #tpu.memory_space<hbm>> -> memref<1000000x128xf32, #tpu.memory_space<hbm>>
      %dma_start3A_317 = tpu.memref_slice %arg10[%dma_start3A_306] : memref<4x!tpu.dma_semaphore, #tpu.memory_space<semaphore_mem>> -> memref<1x!tpu.dma_semaphore, #tpu.memory_space<semaphore_mem>>
      %dma_start3A_318 = tpu.memref_squeeze %dma_start3A_317 : memref<1x!tpu.dma_semaphore, #tpu.memory_space<semaphore_mem>> -> memref<!tpu.dma_semaphore, #tpu.memory_space<semaphore_mem>>
      tpu.enqueue_indirect_dma source(%dma_start3A_316 : memref<1000000x128xf32, #tpu.memory_space<hbm>>) target(%dma_start3A_310 : memref<128x128xf32, #tpu.memory_space<vmem>>) offsets(%dma_start3A_313 : memref<128xi32, #tpu.memory_space<vmem>>) semaphore(%dma_start3A_318 : memref<!tpu.dma_semaphore, #tpu.memory_space<semaphore_mem>>) {add = true}
      %mul3A_319 = arith.constant 4 : i32
      %mul3A_320 = arith.muli %scan3A_80, %mul3A_319 : i32
      %add3A_321 = arith.constant 3 : i32
      %add3A_322 = arith.addi %mul3A_320, %add3A_321 : i32
      %dma_wait3A_323 = arith.constant 0 : i32
      %dma_wait3A_324 = arith.constant 3 : i32
      %dma_wait3A_325 = arith.constant 3 : i32
      %dma_wait3A_326 = arith.constant 0 : i32
      %dma_wait3A_327 = arith.constant 0 : i32
      %dma_wait3A_328 = tpu.memref_slice %arg7[%dma_wait3A_324, %dma_wait3A_326, %dma_wait3A_327] : memref<4x128x128xf32, #tpu.memory_space<vmem>> -> memref<1x128x128xf32, #tpu.memory_space<vmem>>
      %dma_wait3A_329 = tpu.memref_squeeze %dma_wait3A_328 : memref<1x128x128xf32, #tpu.memory_space<vmem>> -> memref<128x128xf32, #tpu.memory_space<vmem>>
      %dma_wait3A_330 = arith.constant 0 : i32
      %dma_wait3A_331 = arith.constant 0 : i32
      %dma_wait3A_332 = tpu.memref_slice %arg8[%dma_wait3A_323, %dma_wait3A_330, %dma_wait3A_331] : memref<25x128x128xf32, #tpu.memory_space<vmem_shared>> -> memref<1x128x128xf32, #tpu.memory_space<vmem_shared>>
      %dma_wait3A_333 = tpu.memref_squeeze %dma_wait3A_332 : memref<1x128x128xf32, #tpu.memory_space<vmem_shared>> -> memref<128x128xf32, #tpu.memory_space<vmem_shared>>
      %dma_wait3A_334 = tpu.memref_slice %arg9[%dma_wait3A_325] : memref<4x!tpu.dma_semaphore, #tpu.memory_space<semaphore_mem>> -> memref<1x!tpu.dma_semaphore, #tpu.memory_space<semaphore_mem>>
      %dma_wait3A_335 = tpu.memref_squeeze %dma_wait3A_334 : memref<1x!tpu.dma_semaphore, #tpu.memory_space<semaphore_mem>> -> memref<!tpu.dma_semaphore, #tpu.memory_space<semaphore_mem>>
      %dma_wait3A_336 = arith.constant 0 : i32
      %dma_wait3A_337 = arith.constant 0 : i32
      %dma_wait3A_338 = tpu.memref_slice %arg7[%dma_wait3A_324, %dma_wait3A_336, %dma_wait3A_337] : memref<4x128x128xf32, #tpu.memory_space<vmem>> -> memref<1x128x128xf32, #tpu.memory_space<vmem>>
      %dma_wait3A_339 = tpu.memref_squeeze %dma_wait3A_338 : memref<1x128x128xf32, #tpu.memory_space<vmem>> -> memref<128x128xf32, #tpu.memory_space<vmem>>
      %dma_wait3A_340 = arith.constant 0 : i32
      %dma_wait3A_341 = arith.constant 0 : i32
      %dma_wait3A_342 = tpu.memref_slice %arg8[%dma_wait3A_323, %dma_wait3A_340, %dma_wait3A_341] : memref<25x128x128xf32, #tpu.memory_space<vmem_shared>> -> memref<1x128x128xf32, #tpu.memory_space<vmem_shared>>
      %dma_wait3A_343 = tpu.memref_squeeze %dma_wait3A_342 : memref<1x128x128xf32, #tpu.memory_space<vmem_shared>> -> memref<128x128xf32, #tpu.memory_space<vmem_shared>>
      tpu.wait_dma2 semaphore(%dma_wait3A_335 : memref<!tpu.dma_semaphore, #tpu.memory_space<semaphore_mem>>) src(%dma_wait3A_343 : memref<128x128xf32, #tpu.memory_space<vmem_shared>>) dst(%dma_wait3A_339 : memref<128x128xf32, #tpu.memory_space<vmem>>)
      %dma_start3A_344 = arith.constant 3 : i32
      %dma_start3A_345 = arith.constant 3 : i32
      %dma_start3A_346 = arith.constant 0 : i32
      %dma_start3A_347 = arith.constant 0 : i32
      %dma_start3A_348 = tpu.memref_slice %arg7[%dma_start3A_344, %dma_start3A_346, %dma_start3A_347] : memref<4x128x128xf32, #tpu.memory_space<vmem>> -> memref<1x128x128xf32, #tpu.memory_space<vmem>>
      %dma_start3A_349 = tpu.memref_squeeze %dma_start3A_348 : memref<1x128x128xf32, #tpu.memory_space<vmem>> -> memref<128x128xf32, #tpu.memory_space<vmem>>
      %dma_start3A_350 = arith.constant 0 : i32
      %dma_start3A_351 = tpu.memref_slice %arg6[%add3A_322, %dma_start3A_350] : memref<200x128xi32, #tpu.memory_space<vmem>> -> memref<1x128xi32, #tpu.memory_space<vmem>>
      %dma_start3A_352 = tpu.memref_squeeze %dma_start3A_351 : memref<1x128xi32, #tpu.memory_space<vmem>> -> memref<128xi32, #tpu.memory_space<vmem>>
      %dma_start3A_353 = arith.constant 0 : i32
      %dma_start3A_354 = arith.constant 0 : i32
      %dma_start3A_355 = tpu.memref_slice %arg4[%dma_start3A_353, %dma_start3A_354] : memref<1000000x128xf32, #tpu.memory_space<hbm>> -> memref<1000000x128xf32, #tpu.memory_space<hbm>>
      %dma_start3A_356 = tpu.memref_slice %arg10[%dma_start3A_345] : memref<4x!tpu.dma_semaphore, #tpu.memory_space<semaphore_mem>> -> memref<1x!tpu.dma_semaphore, #tpu.memory_space<semaphore_mem>>
      %dma_start3A_357 = tpu.memref_squeeze %dma_start3A_356 : memref<1x!tpu.dma_semaphore, #tpu.memory_space<semaphore_mem>> -> memref<!tpu.dma_semaphore, #tpu.memory_space<semaphore_mem>>
      tpu.enqueue_indirect_dma source(%dma_start3A_355 : memref<1000000x128xf32, #tpu.memory_space<hbm>>) target(%dma_start3A_349 : memref<128x128xf32, #tpu.memory_space<vmem>>) offsets(%dma_start3A_352 : memref<128xi32, #tpu.memory_space<vmem>>) semaphore(%dma_start3A_357 : memref<!tpu.dma_semaphore, #tpu.memory_space<semaphore_mem>>) {add = true}
      %mul3A_358 = arith.constant 4 : i32
      %mul3A_359 = arith.muli %scan3A_80, %mul3A_358 : i32
      %add3A_360 = arith.constant 0 : i32
      %add3A_361 = arith.addi %mul3A_359, %add3A_360 : i32
      %dma_wait3A_362 = arith.constant 0 : i32
      %dma_wait3A_363 = arith.constant 0 : i32
      %dma_wait3A_364 = arith.constant 0 : i32
      %dma_wait3A_365 = arith.constant 0 : i32
      %dma_wait3A_366 = tpu.memref_slice %arg7[%dma_wait3A_362, %dma_wait3A_364, %dma_wait3A_365] : memref<4x128x128xf32, #tpu.memory_space<vmem>> -> memref<1x128x128xf32, #tpu.memory_space<vmem>>
      %dma_wait3A_367 = tpu.memref_squeeze %dma_wait3A_366 : memref<1x128x128xf32, #tpu.memory_space<vmem>> -> memref<128x128xf32, #tpu.memory_space<vmem>>
      %dma_wait3A_368 = arith.constant 0 : i32
      %dma_wait3A_369 = tpu.memref_slice %arg6[%add3A_361, %dma_wait3A_368] : memref<200x128xi32, #tpu.memory_space<vmem>> -> memref<1x128xi32, #tpu.memory_space<vmem>>
      %dma_wait3A_370 = tpu.memref_squeeze %dma_wait3A_369 : memref<1x128xi32, #tpu.memory_space<vmem>> -> memref<128xi32, #tpu.memory_space<vmem>>
      %dma_wait3A_371 = arith.constant 0 : i32
      %dma_wait3A_372 = arith.constant 0 : i32
      %dma_wait3A_373 = tpu.memref_slice %arg4[%dma_wait3A_371, %dma_wait3A_372] : memref<1000000x128xf32, #tpu.memory_space<hbm>> -> memref<1000000x128xf32, #tpu.memory_space<hbm>>
      %dma_wait3A_374 = tpu.memref_slice %arg10[%dma_wait3A_363] : memref<4x!tpu.dma_semaphore, #tpu.memory_space<semaphore_mem>> -> memref<1x!tpu.dma_semaphore, #tpu.memory_space<semaphore_mem>>
      %dma_wait3A_375 = tpu.memref_squeeze %dma_wait3A_374 : memref<1x!tpu.dma_semaphore, #tpu.memory_space<semaphore_mem>> -> memref<!tpu.dma_semaphore, #tpu.memory_space<semaphore_mem>>
      tpu.wait_indirect_dma semaphore(%dma_wait3A_375 : memref<!tpu.dma_semaphore, #tpu.memory_space<semaphore_mem>>) src(%dma_wait3A_373 : memref<1000000x128xf32, #tpu.memory_space<hbm>>) dst(%dma_wait3A_367 : memref<128x128xf32, #tpu.memory_space<vmem>>)
      %mul3A_376 = arith.constant 128 : i32
      %mul3A_377 = arith.muli %add3A_361, %mul3A_376 : i32
      %add3A_378 = arith.addi %mul3A_2, %mul3A_377 : i32
      %dma_start3A_379 = arith.constant 0 : i32
      %dma_start3A_380 = arith.constant 0 : i32
      %dma_start3A_381 = arith.constant 0 : i32
      %dma_start3A_382 = arith.constant 0 : i32
      %dma_start3A_383 = tpu.memref_slice %arg7[%dma_start3A_379, %dma_start3A_381, %dma_start3A_382] : memref<4x128x128xf32, #tpu.memory_space<vmem>> -> memref<1x128x128xf32, #tpu.memory_space<vmem>>
      %dma_start3A_384 = tpu.memref_squeeze %dma_start3A_383 : memref<1x128x128xf32, #tpu.memory_space<vmem>> -> memref<128x128xf32, #tpu.memory_space<vmem>>
      %dma_start3A_385 = arith.constant 0 : i32
      %dma_start3A_386 = tpu.memref_slice %arg5[%add3A_378, %dma_start3A_385] : memref<819200x128xf32, #tpu.memory_space<hbm>> -> memref<128x128xf32, #tpu.memory_space<hbm>>
      %dma_start3A_387 = tpu.memref_slice %arg11[%dma_start3A_380] : memref<4x!tpu.dma_semaphore, #tpu.memory_space<semaphore_mem>> -> memref<1x!tpu.dma_semaphore, #tpu.memory_space<semaphore_mem>>
      %dma_start3A_388 = tpu.memref_squeeze %dma_start3A_387 : memref<1x!tpu.dma_semaphore, #tpu.memory_space<semaphore_mem>> -> memref<!tpu.dma_semaphore, #tpu.memory_space<semaphore_mem>>
      %dma_start3A_389 = arith.constant 0 : i32
      %dma_start3A_390 = tpu.memref_slice %arg5[%add3A_378, %dma_start3A_389] : memref<819200x128xf32, #tpu.memory_space<hbm>> -> memref<128x128xf32, #tpu.memory_space<hbm>>
      %dma_start3A_391 = arith.constant 0 : i32
      %dma_start3A_392 = arith.constant 0 : i32
      %dma_start3A_393 = tpu.memref_slice %arg7[%dma_start3A_379, %dma_start3A_391, %dma_start3A_392] : memref<4x128x128xf32, #tpu.memory_space<vmem>> -> memref<1x128x128xf32, #tpu.memory_space<vmem>>
      %dma_start3A_394 = tpu.memref_squeeze %dma_start3A_393 : memref<1x128x128xf32, #tpu.memory_space<vmem>> -> memref<128x128xf32, #tpu.memory_space<vmem>>
      tpu.enqueue_dma source(%dma_start3A_394 : memref<128x128xf32, #tpu.memory_space<vmem>>) target(%dma_start3A_390 : memref<128x128xf32, #tpu.memory_space<hbm>>) target_semaphore(%dma_start3A_388 : memref<!tpu.dma_semaphore, #tpu.memory_space<semaphore_mem>>)
      %mul3A_395 = arith.constant 4 : i32
      %mul3A_396 = arith.muli %scan3A_80, %mul3A_395 : i32
      %add3A_397 = arith.constant 1 : i32
      %add3A_398 = arith.addi %mul3A_396, %add3A_397 : i32
      %dma_wait3A_399 = arith.constant 1 : i32
      %dma_wait3A_400 = arith.constant 1 : i32
      %dma_wait3A_401 = arith.constant 0 : i32
      %dma_wait3A_402 = arith.constant 0 : i32
      %dma_wait3A_403 = tpu.memref_slice %arg7[%dma_wait3A_399, %dma_wait3A_401, %dma_wait3A_402] : memref<4x128x128xf32, #tpu.memory_space<vmem>> -> memref<1x128x128xf32, #tpu.memory_space<vmem>>
      %dma_wait3A_404 = tpu.memref_squeeze %dma_wait3A_403 : memref<1x128x128xf32, #tpu.memory_space<vmem>> -> memref<128x128xf32, #tpu.memory_space<vmem>>
      %dma_wait3A_405 = arith.constant 0 : i32
      %dma_wait3A_406 = tpu.memref_slice %arg6[%add3A_398, %dma_wait3A_405] : memref<200x128xi32, #tpu.memory_space<vmem>> -> memref<1x128xi32, #tpu.memory_space<vmem>>
      %dma_wait3A_407 = tpu.memref_squeeze %dma_wait3A_406 : memref<1x128xi32, #tpu.memory_space<vmem>> -> memref<128xi32, #tpu.memory_space<vmem>>
      %dma_wait3A_408 = arith.constant 0 : i32
      %dma_wait3A_409 = arith.constant 0 : i32
      %dma_wait3A_410 = tpu.memref_slice %arg4[%dma_wait3A_408, %dma_wait3A_409] : memref<1000000x128xf32, #tpu.memory_space<hbm>> -> memref<1000000x128xf32, #tpu.memory_space<hbm>>
      %dma_wait3A_411 = tpu.memref_slice %arg10[%dma_wait3A_400] : memref<4x!tpu.dma_semaphore, #tpu.memory_space<semaphore_mem>> -> memref<1x!tpu.dma_semaphore, #tpu.memory_space<semaphore_mem>>
      %dma_wait3A_412 = tpu.memref_squeeze %dma_wait3A_411 : memref<1x!tpu.dma_semaphore, #tpu.memory_space<semaphore_mem>> -> memref<!tpu.dma_semaphore, #tpu.memory_space<semaphore_mem>>
      tpu.wait_indirect_dma semaphore(%dma_wait3A_412 : memref<!tpu.dma_semaphore, #tpu.memory_space<semaphore_mem>>) src(%dma_wait3A_410 : memref<1000000x128xf32, #tpu.memory_space<hbm>>) dst(%dma_wait3A_404 : memref<128x128xf32, #tpu.memory_space<vmem>>)
      %mul3A_413 = arith.constant 128 : i32
      %mul3A_414 = arith.muli %add3A_398, %mul3A_413 : i32
      %add3A_415 = arith.addi %mul3A_2, %mul3A_414 : i32
      %dma_start3A_416 = arith.constant 1 : i32
      %dma_start3A_417 = arith.constant 1 : i32
      %dma_start3A_418 = arith.constant 0 : i32
      %dma_start3A_419 = arith.constant 0 : i32
      %dma_start3A_420 = tpu.memref_slice %arg7[%dma_start3A_416, %dma_start3A_418, %dma_start3A_419] : memref<4x128x128xf32, #tpu.memory_space<vmem>> -> memref<1x128x128xf32, #tpu.memory_space<vmem>>
      %dma_start3A_421 = tpu.memref_squeeze %dma_start3A_420 : memref<1x128x128xf32, #tpu.memory_space<vmem>> -> memref<128x128xf32, #tpu.memory_space<vmem>>
      %dma_start3A_422 = arith.constant 0 : i32
      %dma_start3A_423 = tpu.memref_slice %arg5[%add3A_415, %dma_start3A_422] : memref<819200x128xf32, #tpu.memory_space<hbm>> -> memref<128x128xf32, #tpu.memory_space<hbm>>
      %dma_start3A_424 = tpu.memref_slice %arg11[%dma_start3A_417] : memref<4x!tpu.dma_semaphore, #tpu.memory_space<semaphore_mem>> -> memref<1x!tpu.dma_semaphore, #tpu.memory_space<semaphore_mem>>
      %dma_start3A_425 = tpu.memref_squeeze %dma_start3A_424 : memref<1x!tpu.dma_semaphore, #tpu.memory_space<semaphore_mem>> -> memref<!tpu.dma_semaphore, #tpu.memory_space<semaphore_mem>>
      %dma_start3A_426 = arith.constant 0 : i32
      %dma_start3A_427 = tpu.memref_slice %arg5[%add3A_415, %dma_start3A_426] : memref<819200x128xf32, #tpu.memory_space<hbm>> -> memref<128x128xf32, #tpu.memory_space<hbm>>
      %dma_start3A_428 = arith.constant 0 : i32
      %dma_start3A_429 = arith.constant 0 : i32
      %dma_start3A_430 = tpu.memref_slice %arg7[%dma_start3A_416, %dma_start3A_428, %dma_start3A_429] : memref<4x128x128xf32, #tpu.memory_space<vmem>> -> memref<1x128x128xf32, #tpu.memory_space<vmem>>
      %dma_start3A_431 = tpu.memref_squeeze %dma_start3A_430 : memref<1x128x128xf32, #tpu.memory_space<vmem>> -> memref<128x128xf32, #tpu.memory_space<vmem>>
      tpu.enqueue_dma source(%dma_start3A_431 : memref<128x128xf32, #tpu.memory_space<vmem>>) target(%dma_start3A_427 : memref<128x128xf32, #tpu.memory_space<hbm>>) target_semaphore(%dma_start3A_425 : memref<!tpu.dma_semaphore, #tpu.memory_space<semaphore_mem>>)
      %mul3A_432 = arith.constant 4 : i32
      %mul3A_433 = arith.muli %scan3A_80, %mul3A_432 : i32
      %add3A_434 = arith.constant 2 : i32
      %add3A_435 = arith.addi %mul3A_433, %add3A_434 : i32
      %dma_wait3A_436 = arith.constant 2 : i32
      %dma_wait3A_437 = arith.constant 2 : i32
      %dma_wait3A_438 = arith.constant 0 : i32
      %dma_wait3A_439 = arith.constant 0 : i32
      %dma_wait3A_440 = tpu.memref_slice %arg7[%dma_wait3A_436, %dma_wait3A_438, %dma_wait3A_439] : memref<4x128x128xf32, #tpu.memory_space<vmem>> -> memref<1x128x128xf32, #tpu.memory_space<vmem>>
      %dma_wait3A_441 = tpu.memref_squeeze %dma_wait3A_440 : memref<1x128x128xf32, #tpu.memory_space<vmem>> -> memref<128x128xf32, #tpu.memory_space<vmem>>
      %dma_wait3A_442 = arith.constant 0 : i32
      %dma_wait3A_443 = tpu.memref_slice %arg6[%add3A_435, %dma_wait3A_442] : memref<200x128xi32, #tpu.memory_space<vmem>> -> memref<1x128xi32, #tpu.memory_space<vmem>>
      %dma_wait3A_444 = tpu.memref_squeeze %dma_wait3A_443 : memref<1x128xi32, #tpu.memory_space<vmem>> -> memref<128xi32, #tpu.memory_space<vmem>>
      %dma_wait3A_445 = arith.constant 0 : i32
      %dma_wait3A_446 = arith.constant 0 : i32
      %dma_wait3A_447 = tpu.memref_slice %arg4[%dma_wait3A_445, %dma_wait3A_446] : memref<1000000x128xf32, #tpu.memory_space<hbm>> -> memref<1000000x128xf32, #tpu.memory_space<hbm>>
      %dma_wait3A_448 = tpu.memref_slice %arg10[%dma_wait3A_437] : memref<4x!tpu.dma_semaphore, #tpu.memory_space<semaphore_mem>> -> memref<1x!tpu.dma_semaphore, #tpu.memory_space<semaphore_mem>>
      %dma_wait3A_449 = tpu.memref_squeeze %dma_wait3A_448 : memref<1x!tpu.dma_semaphore, #tpu.memory_space<semaphore_mem>> -> memref<!tpu.dma_semaphore, #tpu.memory_space<semaphore_mem>>
      tpu.wait_indirect_dma semaphore(%dma_wait3A_449 : memref<!tpu.dma_semaphore, #tpu.memory_space<semaphore_mem>>) src(%dma_wait3A_447 : memref<1000000x128xf32, #tpu.memory_space<hbm>>) dst(%dma_wait3A_441 : memref<128x128xf32, #tpu.memory_space<vmem>>)
      %mul3A_450 = arith.constant 128 : i32
      %mul3A_451 = arith.muli %add3A_435, %mul3A_450 : i32
      %add3A_452 = arith.addi %mul3A_2, %mul3A_451 : i32
      %dma_start3A_453 = arith.constant 2 : i32
      %dma_start3A_454 = arith.constant 2 : i32
      %dma_start3A_455 = arith.constant 0 : i32
      %dma_start3A_456 = arith.constant 0 : i32
      %dma_start3A_457 = tpu.memref_slice %arg7[%dma_start3A_453, %dma_start3A_455, %dma_start3A_456] : memref<4x128x128xf32, #tpu.memory_space<vmem>> -> memref<1x128x128xf32, #tpu.memory_space<vmem>>
      %dma_start3A_458 = tpu.memref_squeeze %dma_start3A_457 : memref<1x128x128xf32, #tpu.memory_space<vmem>> -> memref<128x128xf32, #tpu.memory_space<vmem>>
      %dma_start3A_459 = arith.constant 0 : i32
      %dma_start3A_460 = tpu.memref_slice %arg5[%add3A_452, %dma_start3A_459] : memref<819200x128xf32, #tpu.memory_space<hbm>> -> memref<128x128xf32, #tpu.memory_space<hbm>>
      %dma_start3A_461 = tpu.memref_slice %arg11[%dma_start3A_454] : memref<4x!tpu.dma_semaphore, #tpu.memory_space<semaphore_mem>> -> memref<1x!tpu.dma_semaphore, #tpu.memory_space<semaphore_mem>>
      %dma_start3A_462 = tpu.memref_squeeze %dma_start3A_461 : memref<1x!tpu.dma_semaphore, #tpu.memory_space<semaphore_mem>> -> memref<!tpu.dma_semaphore, #tpu.memory_space<semaphore_mem>>
      %dma_start3A_463 = arith.constant 0 : i32
      %dma_start3A_464 = tpu.memref_slice %arg5[%add3A_452, %dma_start3A_463] : memref<819200x128xf32, #tpu.memory_space<hbm>> -> memref<128x128xf32, #tpu.memory_space<hbm>>
      %dma_start3A_465 = arith.constant 0 : i32
      %dma_start3A_466 = arith.constant 0 : i32
      %dma_start3A_467 = tpu.memref_slice %arg7[%dma_start3A_453, %dma_start3A_465, %dma_start3A_466] : memref<4x128x128xf32, #tpu.memory_space<vmem>> -> memref<1x128x128xf32, #tpu.memory_space<vmem>>
      %dma_start3A_468 = tpu.memref_squeeze %dma_start3A_467 : memref<1x128x128xf32, #tpu.memory_space<vmem>> -> memref<128x128xf32, #tpu.memory_space<vmem>>
      tpu.enqueue_dma source(%dma_start3A_468 : memref<128x128xf32, #tpu.memory_space<vmem>>) target(%dma_start3A_464 : memref<128x128xf32, #tpu.memory_space<hbm>>) target_semaphore(%dma_start3A_462 : memref<!tpu.dma_semaphore, #tpu.memory_space<semaphore_mem>>)
      %mul3A_469 = arith.constant 4 : i32
      %mul3A_470 = arith.muli %scan3A_80, %mul3A_469 : i32
      %add3A_471 = arith.constant 3 : i32
      %add3A_472 = arith.addi %mul3A_470, %add3A_471 : i32
      %dma_wait3A_473 = arith.constant 3 : i32
      %dma_wait3A_474 = arith.constant 3 : i32
      %dma_wait3A_475 = arith.constant 0 : i32
      %dma_wait3A_476 = arith.constant 0 : i32
      %dma_wait3A_477 = tpu.memref_slice %arg7[%dma_wait3A_473, %dma_wait3A_475, %dma_wait3A_476] : memref<4x128x128xf32, #tpu.memory_space<vmem>> -> memref<1x128x128xf32, #tpu.memory_space<vmem>>
      %dma_wait3A_478 = tpu.memref_squeeze %dma_wait3A_477 : memref<1x128x128xf32, #tpu.memory_space<vmem>> -> memref<128x128xf32, #tpu.memory_space<vmem>>
      %dma_wait3A_479 = arith.constant 0 : i32
      %dma_wait3A_480 = tpu.memref_slice %arg6[%add3A_472, %dma_wait3A_479] : memref<200x128xi32, #tpu.memory_space<vmem>> -> memref<1x128xi32, #tpu.memory_space<vmem>>
      %dma_wait3A_481 = tpu.memref_squeeze %dma_wait3A_480 : memref<1x128xi32, #tpu.memory_space<vmem>> -> memref<128xi32, #tpu.memory_space<vmem>>
      %dma_wait3A_482 = arith.constant 0 : i32
      %dma_wait3A_483 = arith.constant 0 : i32
      %dma_wait3A_484 = tpu.memref_slice %arg4[%dma_wait3A_482, %dma_wait3A_483] : memref<1000000x128xf32, #tpu.memory_space<hbm>> -> memref<1000000x128xf32, #tpu.memory_space<hbm>>
      %dma_wait3A_485 = tpu.memref_slice %arg10[%dma_wait3A_474] : memref<4x!tpu.dma_semaphore, #tpu.memory_space<semaphore_mem>> -> memref<1x!tpu.dma_semaphore, #tpu.memory_space<semaphore_mem>>
      %dma_wait3A_486 = tpu.memref_squeeze %dma_wait3A_485 : memref<1x!tpu.dma_semaphore, #tpu.memory_space<semaphore_mem>> -> memref<!tpu.dma_semaphore, #tpu.memory_space<semaphore_mem>>
      tpu.wait_indirect_dma semaphore(%dma_wait3A_486 : memref<!tpu.dma_semaphore, #tpu.memory_space<semaphore_mem>>) src(%dma_wait3A_484 : memref<1000000x128xf32, #tpu.memory_space<hbm>>) dst(%dma_wait3A_478 : memref<128x128xf32, #tpu.memory_space<vmem>>)
      %mul3A_487 = arith.constant 128 : i32
      %mul3A_488 = arith.muli %add3A_472, %mul3A_487 : i32
      %add3A_489 = arith.addi %mul3A_2, %mul3A_488 : i32
      %dma_start3A_490 = arith.constant 3 : i32
      %dma_start3A_491 = arith.constant 3 : i32
      %dma_start3A_492 = arith.constant 0 : i32
      %dma_start3A_493 = arith.constant 0 : i32
      %dma_start3A_494 = tpu.memref_slice %arg7[%dma_start3A_490, %dma_start3A_492, %dma_start3A_493] : memref<4x128x128xf32, #tpu.memory_space<vmem>> -> memref<1x128x128xf32, #tpu.memory_space<vmem>>
      %dma_start3A_495 = tpu.memref_squeeze %dma_start3A_494 : memref<1x128x128xf32, #tpu.memory_space<vmem>> -> memref<128x128xf32, #tpu.memory_space<vmem>>
      %dma_start3A_496 = arith.constant 0 : i32
      %dma_start3A_497 = tpu.memref_slice %arg5[%add3A_489, %dma_start3A_496] : memref<819200x128xf32, #tpu.memory_space<hbm>> -> memref<128x128xf32, #tpu.memory_space<hbm>>
      %dma_start3A_498 = tpu.memref_slice %arg11[%dma_start3A_491] : memref<4x!tpu.dma_semaphore, #tpu.memory_space<semaphore_mem>> -> memref<1x!tpu.dma_semaphore, #tpu.memory_space<semaphore_mem>>
      %dma_start3A_499 = tpu.memref_squeeze %dma_start3A_498 : memref<1x!tpu.dma_semaphore, #tpu.memory_space<semaphore_mem>> -> memref<!tpu.dma_semaphore, #tpu.memory_space<semaphore_mem>>
      %dma_start3A_500 = arith.constant 0 : i32
      %dma_start3A_501 = tpu.memref_slice %arg5[%add3A_489, %dma_start3A_500] : memref<819200x128xf32, #tpu.memory_space<hbm>> -> memref<128x128xf32, #tpu.memory_space<hbm>>
      %dma_start3A_502 = arith.constant 0 : i32
      %dma_start3A_503 = arith.constant 0 : i32
      %dma_start3A_504 = tpu.memref_slice %arg7[%dma_start3A_490, %dma_start3A_502, %dma_start3A_503] : memref<4x128x128xf32, #tpu.memory_space<vmem>> -> memref<1x128x128xf32, #tpu.memory_space<vmem>>
      %dma_start3A_505 = tpu.memref_squeeze %dma_start3A_504 : memref<1x128x128xf32, #tpu.memory_space<vmem>> -> memref<128x128xf32, #tpu.memory_space<vmem>>
      tpu.enqueue_dma source(%dma_start3A_505 : memref<128x128xf32, #tpu.memory_space<vmem>>) target(%dma_start3A_501 : memref<128x128xf32, #tpu.memory_space<hbm>>) target_semaphore(%dma_start3A_499 : memref<!tpu.dma_semaphore, #tpu.memory_space<semaphore_mem>>)
    }
    %scan3A_8 = arith.constant 50 : i32
    %dma_wait3A = arith.constant 0 : i32
    %dma_wait3A_9 = arith.constant 0 : i32
    %dma_wait3A_10 = arith.constant 0 : i32
    %dma_wait3A_11 = arith.constant 0 : i32
    %dma_wait3A_12 = tpu.memref_slice %arg7[%dma_wait3A, %dma_wait3A_10, %dma_wait3A_11] : memref<4x128x128xf32, #tpu.memory_space<vmem>> -> memref<1x128x128xf32, #tpu.memory_space<vmem>>
    %dma_wait3A_13 = tpu.memref_squeeze %dma_wait3A_12 : memref<1x128x128xf32, #tpu.memory_space<vmem>> -> memref<128x128xf32, #tpu.memory_space<vmem>>
    %dma_wait3A_14 = arith.constant 0 : i32
    %dma_wait3A_15 = arith.constant 0 : i32
    %dma_wait3A_16 = tpu.memref_slice %arg5[%dma_wait3A_14, %dma_wait3A_15] : memref<819200x128xf32, #tpu.memory_space<hbm>> -> memref<128x128xf32, #tpu.memory_space<hbm>>
    %dma_wait3A_17 = tpu.memref_slice %arg11[%dma_wait3A_9] : memref<4x!tpu.dma_semaphore, #tpu.memory_space<semaphore_mem>> -> memref<1x!tpu.dma_semaphore, #tpu.memory_space<semaphore_mem>>
    %dma_wait3A_18 = tpu.memref_squeeze %dma_wait3A_17 : memref<1x!tpu.dma_semaphore, #tpu.memory_space<semaphore_mem>> -> memref<!tpu.dma_semaphore, #tpu.memory_space<semaphore_mem>>
    %dma_wait3A_19 = arith.constant 0 : i32
    %dma_wait3A_20 = arith.constant 0 : i32
    %dma_wait3A_21 = tpu.memref_slice %arg5[%dma_wait3A_19, %dma_wait3A_20] : memref<819200x128xf32, #tpu.memory_space<hbm>> -> memref<128x128xf32, #tpu.memory_space<hbm>>
    %dma_wait3A_22 = arith.constant 0 : i32
    %dma_wait3A_23 = arith.constant 0 : i32
    %dma_wait3A_24 = tpu.memref_slice %arg7[%dma_wait3A, %dma_wait3A_22, %dma_wait3A_23] : memref<4x128x128xf32, #tpu.memory_space<vmem>> -> memref<1x128x128xf32, #tpu.memory_space<vmem>>
    %dma_wait3A_25 = tpu.memref_squeeze %dma_wait3A_24 : memref<1x128x128xf32, #tpu.memory_space<vmem>> -> memref<128x128xf32, #tpu.memory_space<vmem>>
    tpu.wait_dma2 semaphore(%dma_wait3A_18 : memref<!tpu.dma_semaphore, #tpu.memory_space<semaphore_mem>>) src(%dma_wait3A_25 : memref<128x128xf32, #tpu.memory_space<vmem>>) dst(%dma_wait3A_21 : memref<128x128xf32, #tpu.memory_space<hbm>>)
    %dma_wait3A_26 = arith.constant 1 : i32
    %dma_wait3A_27 = arith.constant 1 : i32
    %dma_wait3A_28 = arith.constant 0 : i32
    %dma_wait3A_29 = arith.constant 0 : i32
    %dma_wait3A_30 = tpu.memref_slice %arg7[%dma_wait3A_26, %dma_wait3A_28, %dma_wait3A_29] : memref<4x128x128xf32, #tpu.memory_space<vmem>> -> memref<1x128x128xf32, #tpu.memory_space<vmem>>
    %dma_wait3A_31 = tpu.memref_squeeze %dma_wait3A_30 : memref<1x128x128xf32, #tpu.memory_space<vmem>> -> memref<128x128xf32, #tpu.memory_space<vmem>>
    %dma_wait3A_32 = arith.constant 0 : i32
    %dma_wait3A_33 = arith.constant 0 : i32
    %dma_wait3A_34 = tpu.memref_slice %arg5[%dma_wait3A_32, %dma_wait3A_33] : memref<819200x128xf32, #tpu.memory_space<hbm>> -> memref<128x128xf32, #tpu.memory_space<hbm>>
    %dma_wait3A_35 = tpu.memref_slice %arg11[%dma_wait3A_27] : memref<4x!tpu.dma_semaphore, #tpu.memory_space<semaphore_mem>> -> memref<1x!tpu.dma_semaphore, #tpu.memory_space<semaphore_mem>>
    %dma_wait3A_36 = tpu.memref_squeeze %dma_wait3A_35 : memref<1x!tpu.dma_semaphore, #tpu.memory_space<semaphore_mem>> -> memref<!tpu.dma_semaphore, #tpu.memory_space<semaphore_mem>>
    %dma_wait3A_37 = arith.constant 0 : i32
    %dma_wait3A_38 = arith.constant 0 : i32
    %dma_wait3A_39 = tpu.memref_slice %arg5[%dma_wait3A_37, %dma_wait3A_38] : memref<819200x128xf32, #tpu.memory_space<hbm>> -> memref<128x128xf32, #tpu.memory_space<hbm>>
    %dma_wait3A_40 = arith.constant 0 : i32
    %dma_wait3A_41 = arith.constant 0 : i32
    %dma_wait3A_42 = tpu.memref_slice %arg7[%dma_wait3A_26, %dma_wait3A_40, %dma_wait3A_41] : memref<4x128x128xf32, #tpu.memory_space<vmem>> -> memref<1x128x128xf32, #tpu.memory_space<vmem>>
    %dma_wait3A_43 = tpu.memref_squeeze %dma_wait3A_42 : memref<1x128x128xf32, #tpu.memory_space<vmem>> -> memref<128x128xf32, #tpu.memory_space<vmem>>
    tpu.wait_dma2 semaphore(%dma_wait3A_36 : memref<!tpu.dma_semaphore, #tpu.memory_space<semaphore_mem>>) src(%dma_wait3A_43 : memref<128x128xf32, #tpu.memory_space<vmem>>) dst(%dma_wait3A_39 : memref<128x128xf32, #tpu.memory_space<hbm>>)
    %dma_wait3A_44 = arith.constant 2 : i32
    %dma_wait3A_45 = arith.constant 2 : i32
    %dma_wait3A_46 = arith.constant 0 : i32
    %dma_wait3A_47 = arith.constant 0 : i32
    %dma_wait3A_48 = tpu.memref_slice %arg7[%dma_wait3A_44, %dma_wait3A_46, %dma_wait3A_47] : memref<4x128x128xf32, #tpu.memory_space<vmem>> -> memref<1x128x128xf32, #tpu.memory_space<vmem>>
    %dma_wait3A_49 = tpu.memref_squeeze %dma_wait3A_48 : memref<1x128x128xf32, #tpu.memory_space<vmem>> -> memref<128x128xf32, #tpu.memory_space<vmem>>
    %dma_wait3A_50 = arith.constant 0 : i32
    %dma_wait3A_51 = arith.constant 0 : i32
    %dma_wait3A_52 = tpu.memref_slice %arg5[%dma_wait3A_50, %dma_wait3A_51] : memref<819200x128xf32, #tpu.memory_space<hbm>> -> memref<128x128xf32, #tpu.memory_space<hbm>>
    %dma_wait3A_53 = tpu.memref_slice %arg11[%dma_wait3A_45] : memref<4x!tpu.dma_semaphore, #tpu.memory_space<semaphore_mem>> -> memref<1x!tpu.dma_semaphore, #tpu.memory_space<semaphore_mem>>
    %dma_wait3A_54 = tpu.memref_squeeze %dma_wait3A_53 : memref<1x!tpu.dma_semaphore, #tpu.memory_space<semaphore_mem>> -> memref<!tpu.dma_semaphore, #tpu.memory_space<semaphore_mem>>
    %dma_wait3A_55 = arith.constant 0 : i32
    %dma_wait3A_56 = arith.constant 0 : i32
    %dma_wait3A_57 = tpu.memref_slice %arg5[%dma_wait3A_55, %dma_wait3A_56] : memref<819200x128xf32, #tpu.memory_space<hbm>> -> memref<128x128xf32, #tpu.memory_space<hbm>>
    %dma_wait3A_58 = arith.constant 0 : i32
    %dma_wait3A_59 = arith.constant 0 : i32
    %dma_wait3A_60 = tpu.memref_slice %arg7[%dma_wait3A_44, %dma_wait3A_58, %dma_wait3A_59] : memref<4x128x128xf32, #tpu.memory_space<vmem>> -> memref<1x128x128xf32, #tpu.memory_space<vmem>>
    %dma_wait3A_61 = tpu.memref_squeeze %dma_wait3A_60 : memref<1x128x128xf32, #tpu.memory_space<vmem>> -> memref<128x128xf32, #tpu.memory_space<vmem>>
    tpu.wait_dma2 semaphore(%dma_wait3A_54 : memref<!tpu.dma_semaphore, #tpu.memory_space<semaphore_mem>>) src(%dma_wait3A_61 : memref<128x128xf32, #tpu.memory_space<vmem>>) dst(%dma_wait3A_57 : memref<128x128xf32, #tpu.memory_space<hbm>>)
    %dma_wait3A_62 = arith.constant 3 : i32
    %dma_wait3A_63 = arith.constant 3 : i32
    %dma_wait3A_64 = arith.constant 0 : i32
    %dma_wait3A_65 = arith.constant 0 : i32
    %dma_wait3A_66 = tpu.memref_slice %arg7[%dma_wait3A_62, %dma_wait3A_64, %dma_wait3A_65] : memref<4x128x128xf32, #tpu.memory_space<vmem>> -> memref<1x128x128xf32, #tpu.memory_space<vmem>>
    %dma_wait3A_67 = tpu.memref_squeeze %dma_wait3A_66 : memref<1x128x128xf32, #tpu.memory_space<vmem>> -> memref<128x128xf32, #tpu.memory_space<vmem>>
    %dma_wait3A_68 = arith.constant 0 : i32
    %dma_wait3A_69 = arith.constant 0 : i32
    %dma_wait3A_70 = tpu.memref_slice %arg5[%dma_wait3A_68, %dma_wait3A_69] : memref<819200x128xf32, #tpu.memory_space<hbm>> -> memref<128x128xf32, #tpu.memory_space<hbm>>
    %dma_wait3A_71 = tpu.memref_slice %arg11[%dma_wait3A_63] : memref<4x!tpu.dma_semaphore, #tpu.memory_space<semaphore_mem>> -> memref<1x!tpu.dma_semaphore, #tpu.memory_space<semaphore_mem>>
    %dma_wait3A_72 = tpu.memref_squeeze %dma_wait3A_71 : memref<1x!tpu.dma_semaphore, #tpu.memory_space<semaphore_mem>> -> memref<!tpu.dma_semaphore, #tpu.memory_space<semaphore_mem>>
    %dma_wait3A_73 = arith.constant 0 : i32
    %dma_wait3A_74 = arith.constant 0 : i32
    %dma_wait3A_75 = tpu.memref_slice %arg5[%dma_wait3A_73, %dma_wait3A_74] : memref<819200x128xf32, #tpu.memory_space<hbm>> -> memref<128x128xf32, #tpu.memory_space<hbm>>
    %dma_wait3A_76 = arith.constant 0 : i32
    %dma_wait3A_77 = arith.constant 0 : i32
    %dma_wait3A_78 = tpu.memref_slice %arg7[%dma_wait3A_62, %dma_wait3A_76, %dma_wait3A_77] : memref<4x128x128xf32, #tpu.memory_space<vmem>> -> memref<1x128x128xf32, #tpu.memory_space<vmem>>
    %dma_wait3A_79 = tpu.memref_squeeze %dma_wait3A_78 : memref<1x128x128xf32, #tpu.memory_space<vmem>> -> memref<128x128xf32, #tpu.memory_space<vmem>>
    tpu.wait_dma2 semaphore(%dma_wait3A_72 : memref<!tpu.dma_semaphore, #tpu.memory_space<semaphore_mem>>) src(%dma_wait3A_79 : memref<128x128xf32, #tpu.memory_space<vmem>>) dst(%dma_wait3A_75 : memref<128x128xf32, #tpu.memory_space<hbm>>)
    return
  }
}

</mosaic_0001>

<sc_bundles>
// kernel: _sc_embed.3.cloned.1.call-start
scs
__scs_entry_jumppad:
0x0: {  	(pc) =	sbr.rel $0x88, $3  }
0x1: {  	(tag) =	ssettag $0x0;
	lr =	simm.s32 $0x1  }
0x2: {  	[smem:$0x3F9E] =	sst lr;
	_ =	strace $0xD0000000  }
0x3: {  	_ = 	snop  }
0x4: {  	_ = 	snop  }
0x5: {  	_ = 	snop  }
0x6: {  	_ = 	snop  }
0x7: {  	_ = 	snop  }
__scs_overlays_trampoline_lowered:
0x8: {  	[smem:$0x3FAD] =	sst s0  }
0x9: {  	[smem:$0x3FAE] =	sst s1  }
0xa: {  	[smem:$0x3FAF] =	sst s2  }
0xb: {  	[smem:$0x3FB0] =	sst s3  }
0xc: {  	[smem:$0x3FB1] =	sst s4  }
0xd: {  	[smem:$0x3FB2] =	sst s5  }
0xe: {  	[smem:$0x3FB3] =	sst s6  }
0xf: {  	[smem:$0x3FB4] =	sst s7  }
0x10: {  	[smem:$0x3FB5] =	sst s8  }
0x11: {  	[smem:$0x3FB6] =	sst s9;
	s0 =	simm.s32 @!p0 $0x0  }
0x12: {  	s1 =	sld [smem:$0x3F9C];
	s0 =	simm.s32 @p0 $0x1  }
0x13: {  	[smem:$0x3FB7] =	sst s0;
	s0 =	simm.s32 @!p1 $0x0  }
0x14: {  	s2 =	sld [smem:$0x3F9B];
	s0 =	simm.s32 @p1 $0x1  }
0x15: {  	[smem:$0x3FB8] =	sst s0;
	s0 =	simm.s32 @!p2 $0x0  }
0x16: {  	s3 =	sld [smem:$0x3FDB];
	s0 =	simm.s32 @p2 $0x1  }
0x17: {  	s4 =	simm.s32 $0x1BF5;
	[smem:$0x3FBA] =	sst s0  }
0x18: {  	s0 =	sld [smem:$0x3F9D];
	_ =	swait.ge [sflag:s4], $0x0  }
0x19: {  	s7 =	sld [smem:$0x3F9E]  }
0x1a: {  	s8 =	sadd.s32 $0xFFFFE003, lr  }
0x1b: {  	s9 =	sadd.s32 $0xFFFFFEF7, lr;
	s5 =	simm.s32 $0xFFFFFFFF;
	p2 =	slt.u32 s8, $0xFFFFF086  }
0x1c: {  	p1 =	slt.u32 s9, $0xF7A;
	s5 =	simm.s32 @!p2 $0x0  }
0x1d: {  	s5 =	simm.s32 @p1 $0x1;
	p0 =	seq.s32 s7, s2  }
0x1e: {  	s7 =	smul.u32 @!p0 $0xF7A, s2;
	p2 =	seq.s32 @!p0 s5, $0x0  }
0x1f: {  	s9 =	smul.u32 $0xF7A, s1;
	s8 =	simm.s32 @!p0 $0x1BF5;
	p2 =	por !p2, p0  }
0x20: {  	[sflag:s8] =	ssyncset.s32 @!p0 $0xFFFFF086;
	s6 =	sadd.s32 @!p0 s3, s7;
	s7 =	simm.s32 @!p0 $0x108  }
0x21: {  	s3 =	sadd.s32 s3, s9;
	s6 =	sadd.s32 @!p0 $0x88, s6;
	s7 =	simm.s32 @p2 $0x1082  }
0x22: {  	[simem:s7], [sflag:s8] =	dma.local @!p0 [hbm:s6], $0xF7A  }
0x23: {  	s9 =	sor.u32 $0xD0000000, s2;
	s6 =	simm.s32 $0x108;
	_ =	swait.ge @!p0 [sflag:s8], $0x0  }
0x24: {  	s3 =	sadd.s32 $0x88, s3;
	s6 =	simm.s32 @!p1 $0x1082;
	[sflag:s4] =	ssyncset.s32 $0xFFFFF086  }
0x25: {  	[simem:s6], [sflag:s4] =	dma.local [hbm:s3], $0xF7A  }
0x26: {  	[smem:$0x3F9E] =	sst s1;
	(tag) =	ssettag s2;
	_ =	strace s9  }
0x27: {  	s1 =	sld [smem:$0x3FAE]  }
0x28: {  	s2 =	sld [smem:$0x3FAF]  }
0x29: {  	s4 =	sld [smem:$0x3FB1]  }
0x2a: {  	p0 =	seq.s32 s5, $0x0;
	s5 =	sld [smem:$0x3FB2]  }
0x2b: {  	s6 =	sld [smem:$0x3FB3]  }
0x2c: {  	s7 =	sld [smem:$0x3FB4]  }
0x2d: {  	s3 =	simm.s32 $0x108;
	s8 =	sld [smem:$0x3FB5]  }
0x2e: {  	s3 =	simm.s32 @!p0 $0x1082;
	s9 =	sld [smem:$0x3FB6]  }
0x2f: {  	lr =	sadd.s32 s0, s3;
	s0 =	sld [smem:$0x3FAD]  }
0x30: {  	s3 =	sld [smem:$0x3FB0]  }
0x31: {  	[smem:$0x3FB9] =	sst s10  }
0x32: {  	s10 =	sld [smem:$0x3FB7];
	_ =	sdelay $0x3  }
0x33: {  	p0 =	seq.s32 s10, $0x1;
	s10 =	sld [smem:$0x3FB9];
	_ =	sdelay $0x3  }
0x34: {  	[smem:$0x3FB9] =	sst s10  }
0x35: {  	s10 =	sld [smem:$0x3FB8];
	_ =	sdelay $0x3  }
0x36: {  	p1 =	seq.s32 s10, $0x1;
	s10 =	sld [smem:$0x3FB9];
	_ =	sdelay $0x3  }
0x37: {  	[smem:$0x3FB9] =	sst s10  }
0x38: {  	s10 =	sld [smem:$0x3FBA]  }
0x39: {  	_ = 	snop;
	(pc) =	sbr.ind lr, $3  }
0x3a: {  	_ = 	snop  }
0x3b: {  	_ = 	snop  }
0x3c: {  	p2 =	seq.s32 s10, $0x1;
	s10 =	sld [smem:$0x3FB9]  }
0x3d: {  	_ =	shalt  }
0x3e: {  	_ =	shalt  }
0x3f: {  	_ =	shalt  }
0x40: {  	_ =	shalt  }
0x41: {  	_ =	shalt  }
0x42: {  	_ =	shalt  }
0x43: {  	_ =	shalt  }
0x44: {  	_ =	shalt  }
0x45: {  	_ =	shalt  }
0x46: {  	_ =	shalt  }
0x47: {  	_ =	shalt  }
0x48: {  	_ =	shalt  }
0x49: {  	_ =	shalt  }
0x4a: {  	_ =	shalt  }
0x4b: {  	_ =	shalt  }
0x4c: {  	_ =	shalt  }
0x4d: {  	_ =	shalt  }
0x4e: {  	_ =	shalt  }
0x4f: {  	_ =	shalt  }
0x50: {  	_ =	shalt  }
0x51: {  	_ =	shalt  }
0x52: {  	_ =	shalt  }
0x53: {  	_ =	shalt  }
0x54: {  	_ =	shalt  }
0x55: {  	_ =	shalt  }
0x56: {  	_ =	shalt  }
0x57: {  	_ =	shalt  }
0x58: {  	_ =	shalt  }
0x59: {  	_ =	shalt  }
0x5a: {  	_ =	shalt  }
0x5b: {  	_ =	shalt  }
0x5c: {  	_ =	shalt  }
0x5d: {  	_ =	shalt  }
0x5e: {  	_ =	shalt  }
0x5f: {  	_ =	shalt  }
0x60: {  	_ =	shalt  }
0x61: {  	_ =	shalt  }
0x62: {  	_ =	shalt  }
0x63: {  	_ =	shalt  }
0x64: {  	_ =	shalt  }
0x65: {  	_ =	shalt  }
0x66: {  	_ =	shalt  }
0x67: {  	_ =	shalt  }
0x68: {  	_ =	shalt  }
0x69: {  	_ =	shalt  }
0x6a: {  	_ =	shalt  }
0x6b: {  	_ =	shalt  }
0x6c: {  	_ =	shalt  }
0x6d: {  	_ =	shalt  }
0x6e: {  	_ =	shalt  }
0x6f: {  	_ =	shalt  }
0x70: {  	_ =	shalt  }
0x71: {  	_ =	shalt  }
0x72: {  	_ =	shalt  }
0x73: {  	_ =	shalt  }
0x74: {  	_ =	shalt  }
0x75: {  	_ =	shalt  }
0x76: {  	_ =	shalt  }
0x77: {  	_ =	shalt  }
0x78: {  	_ =	shalt  }
0x79: {  	_ =	shalt  }
0x7a: {  	_ =	shalt  }
0x7b: {  	_ =	shalt  }
0x7c: {  	_ =	shalt  }
0x7d: {  	_ =	shalt  }
0x7e: {  	_ =	shalt  }
0x7f: {  	_ =	shalt  }
0x80: {  	_ =	shalt  }
0x81: {  	_ =	shalt  }
0x82: {  	_ =	shalt  }
0x83: {  	_ =	shalt  }
0x84: {  	_ =	shalt  }
0x85: {  	_ =	shalt  }
0x86: {  	_ =	shalt  }
0x87: {  	_ =	shalt  }
.Lfunc_end0:
.L_simem_size_0:
called_computation_lowered:
.L_overlay_start_0:
0x88: {  	s2 =	sld [smem:$0x3FD9]  }
0x89: {  	s3 =	sld [smem:$0x3FFE];
	_ =	sdelay $0x1  }
0x8a: {  	s1 =	srdreg.scid  }
0x8b: {  	s0 =	sand.u32 $0x1, s1  }
0x8c: {  	s18 =	sshll.u32 s0, $0xA;
	s2 =	sadd.s32 s3, s2  }
0x8d: {  	s2 =	sadd.s32 s2, s18  }
0x8e: {  	[smem:$0x3FC5] =	sst s2  }
0x8f: {  	_ = 	snop  }
0x90: {  	s2 =	sld [smem:$0x3FC9]  }
0x91: {  	s19 =	sld [smem:$0x3FC8]  }
0x92: {  	s4 =	sld [smem:$0x3FC7]  }
0x93: {  	s5 =	sld [smem:$0x3FD0];
	(tm) =	ssettm $0x1  }
0x94: {  	s6 =	sld [smem:$0x3FFB];
	_ =	sdelay $0x3  }
0x95: {  	_ =	strace s6  }
0x96: {  	s6 =	sld [smem:$0x3FFC];
	_ =	sdelay $0x3  }
0x97: {  	_ =	strace s6  }
0x98: {  	s6 =	sld [smem:$0x3FFD];
	_ =	sdelay $0x3  }
0x99: {  	_ =	strace s6  }
0x9a: {  	_ =	strace $0x8FFFFFFF  }
0x9b: {  	s20 =	sld [smem:$0x3FDB];
	_ =	sdelay $0x1  }
0x9c: {  	s7 =	simm.s32 $_scs_section_size  }
0x9d: {  	s8 =	simm.s32 $_size__tile_overlayer_lowered;
	s9 =	simm.s32 $_tile_overlayer_lowered  }
0x9e: {  	s23 =	simm.s32 $0x1BFF;
	s22 =	sshll.u32 s9, $0x1;
	s6 =	sadd.s32 s7, s20  }
0x9f: {  	s10 =	simm.s32 $0x0;
	s21 =	sshll.u32 s8, $0x1;
	s8 =	sadd.s32 s22, s6  }
0xa0: {  	[timem:s10], [sflag:s23] =	dma.local [hbm:s8], s21  }
0xa1: {  	_ =	swait.ge [sflag:s23], s21  }
0xa2: {  	s7 =	ssub.s32 $0x0, s21;
	[sflag:s23] =	ssyncset.done $0x0  }
0xa3: {  	[sflag:s23] =	ssyncadd.s32 s7;
	_ =	sdelay $0x1  }
0xa4: {  	s24 =	simm.s32 $0x1B8B  }
0xa5: {  	_ =	swait.ge [sflag:s24], $0x1  }
0xa6: {  	[sflag:s24] =	ssyncset.done $0x0  }
0xa7: {  	s25 =	simm.s32 $0x1B8E;
	[sflag:s24] =	ssyncadd.s32 $0xFFFFFFFF  }
0xa8: {  	s26 =	simm.s32 $execute0_lowered;
	[smem:$0x3FD2] =	sst s25  }
0xa9: {  	s7 =	sshll.u32 s26, $0x1;
	_ =	strace $0x80000046;
	[dreg:$0x1] =	wrdreg $0xFFFFFFFF  }
0xaa: {  	s28 =	simm.s32 $_size_execute0_lowered;
	s6 =	sadd.s32 s6, s7;
	[dreg:$0x0] =	wrdreg $0x0  }
0xab: {  	s7 =	sshll.u32 s28, $0x1;
	[dreg:$0x2] =	wrdreg s6  }
0xac: {  	[dreg:$0x3] =	wrdreg s7  }
0xad: {  	[dreg:$0x4] =	wrdreg $0xC0  }
0xae: {  	_ =	task [dreg:s10], $0x5FFFF  }
0xaf: {  	[dreg:$0x1] =	wrdreg $0xFFFFFFFF  }
0xb0: {  	[dreg:$0x0] =	wrdreg $0x60  }
0xb1: {  	[dreg:$0x2] =	wrdreg s2  }
0xb2: {  	[dreg:$0x3] =	wrdreg s19  }
0xb3: {  	[dreg:$0x4] =	wrdreg s4  }
0xb4: {  	[dreg:$0x5] =	wrdreg s5  }
0xb5: {  	[dreg:$0x6] =	wrdreg $0x164000  }
0xb6: {  	[dreg:$0x7] =	wrdreg $0x9  }
0xb7: {  	_ =	task.clear_ibuf [dreg:s10], $0x8FFFF;
	_ =	strace $0x90000046  }
0xb8: {  	s29 =	simm.s32 $0x9;
	_ =	strace $0x80000048  }
0xb9: {  	_ =	swait.ge [sflag:s29], $0x1  }
0xba: {  	[sflag:s29] =	ssyncadd.s32 $0xFFFFFFFF  }
0xbb: {  	_ =	strace $0x90000048  }
0xbc: {  	_ =	sfence  }
0xbd: {  	s30 =	sld [smem:$0x0];
	_ =	sdelay $0x2  }
0xbe: {  	s31 =	sshll.u32 s1, $0xD;
	s1 =	sshrl.u32 s1, $0x2  }
0xbf: {  	s3 =	sand.u32 $0x4000, s31;
	s1 =	sadd.s32 s1, s30  }
0xc0: {  	s0 =	sor.u32 s3, s0;
	s1 =	sshll.u32 s1, $0x11  }
0xc1: {  	s0 =	sor.u32 s1, s0  }
0xc2: {  	s0 =	sadd.s32 $0x8F2B, s0  }
0xc3: {  	[sflag:s0] =	ssyncadd.remote.s32 $0x1  }
0xc4: {  	_ =	sfence.sel $0xFFFF  }
0xc5: {  	[dreg:$0x0] =	wrdreg $0xFFFFFFFF;
	(pc) =	sbr.abs _section_cstart, $3  }
0xc6: {  	[dreg:$0x1] =	wrdreg $0xFFFFFFFF  }
0xc7: {  	_ =	task.clear_ibuf [dreg:s10], $0x2FFFF;
	_ =	strace $0x9FFFFFFF  }
0xc8: {  	(tm) =	ssettm $0x7FFFFFFF  }
0xc9: {  	_ =	shalt  }
tec
execute0_lowered:
.L_overlay_start_1:
0x0: {  	(tag) =	ssettag $0x1  }
0x1: {  	s0 =	rddreg [dreg:$0x0]  }
0x2: {  	s11 =	rddreg [dreg:$0x3];
	s2 =	srdreg.scid  }
0x3: {  	s3 =	stileid.u32;
	s4 =	rddreg [dreg:$0x4];
	s1 =	simm.s32 $0x0  }
0x4: {  	s13 =	simm.s32 $0x12400;
	s17 =	simm.s32 $0x6400;
	s18 =	simm.s32 $0xA400  }
0x5: {  	s2 =	sand.u32 $0x1, s2;
	s6 =	sshll.u32 s3, $0x1;
	[smem:$0x7FF] =	sst s1  }
0x6: {  	s9 =	smul.u32 $0x640000, s3;
	s28 =	sadd.s32 $0x4000, s4;
	s6 =	sor.u32 s2, s6  }
0x7: {  	s29 =	sadd.s32 $0x8000, s4;
	s7 =	ssub.s32 $0x2, s2;
	s6 =	smul.u32 $0x6400, s6  }
0x8: {  	_ =	strace $0x80000047;
	s2 =	smul.u32 $0x320000, s2;
	[dreg:$0x6] =	wrdreg s28  }
0x9: {  	[dreg:$0x7] =	wrdreg s29;
	s8 =	sshrl.u32 s7, $0x1;
	s10 =	sshrl.u32 s6, $0x3  }
0xa: {  	s7 =	ssub.s32 s7, s8;
	s30 =	sadd.s32 s2, s9;
	s0 =	sadd.s32 s0, s10  }
0xb: {  	s31 =	smax.u32 s7, $0x1;
	[dreg:$0x8] =	wrdreg s0;
	s0 =	sshrl.u32 s30, $0x3  }
0xc: {  	p0 =	sne.s32 s3, $0x0;
	[dreg:$0x9] =	wrdreg s31;
	s0 =	sadd.s32 s0, s11  }
0xd: {  	s21 =	simm.s32 $0x4;
	[dreg:$0xa] =	wrdreg s0;
	s0 =	sshrl.u32 @!p0 s4, $0x3  }
0xe: {  	s22 =	simm.s32 $0x5;
	s2 =	simm.s32 $0x0;
	[dreg:$0xb] =	wrdreg s0  }
.LBB2_1:
0xf: {  	[dreg:$0xc] =	wrdreg s2  }
0x10: {  	s2 =	rddreg [dreg:$0x1]  }
0x11: {  	s0 =	simm.s32 @!p0 $0x1C0D;
	s3 =	rddreg [dreg:$0xb]  }
0x12: {  	p1 =	por $0x0, $0x0;
	s5 =	simm.s32 $0x0;
	s7 =	simm.s32 $0xD  }
0x13: {  	s25 =	simm.s32 $0x100;
	s24 =	simm.s32 $0x1;
	s31 =	simm.s32 $0x3  }
0x14: {  	[spmem:s3], [sflag:s0] =	dma.local @!p0 [hbm:s2], $0xC800  }
0x15: {  	s0 =	simm.s32 @!p0 $0xD;
	s3 =	sand.u32 @p1 $0xFF, s5;
	s11 =	simm.s32 @p1 $0x3  }
0x16: {  	s8 =	simm.s32 @p1 $0x9;
	s9 =	simm.s32 @p1 $0x6400;
	s10 =	simm.s32 @p1 $0xA  }
0x17: {  	s25 =	simm.s32 @!p1 $0x100;
	_ =	swait.ge @!p0 [sflag:s0], $0xC800;
	s3 =	smul.u32 @p1 $0x29, s3  }
0x18: {  	s11 =	simm.s32 @!p1 $0x3;
	[sflag:s0] =	ssyncset.done @!p0 $0x0;
	s12 =	rddreg [dreg:$0x8]  }
0x19: {  	[sflag:s0] =	ssyncadd.s32 @!p0 $0xFFFF3800;
	s0 =	smul.u32 @p1 $0x29, s5;
	s3 =	sshrl.u32 @p1 s3, $0xA  }
0x1a: {  	[tilespmem:s5], [sflag:$0xD] =	stream.linear.gather [hbm4b:s12+s5], $0x6400, $0x38;
	[tilespmem:$0x1C800] =	vst v63  }
0x1b: {  	s20 =	sadd.s32 s6, s25;
	s14 =	sand.u32 $0xFF, s11;
	s3 =	smul.u32 @p1 $0x19, s3  }
0x1c: {  	_ =	swait.ge [sflag:s7], $0x6400;
	s2 =	sadd.s32 @p1 $0x29, s0;
	s0 =	sadd.s32 @p1 $0x52, s0  }
0x1d: {  	[sflag:s7] =	ssyncset.done $0x0;
	s2 =	sshrl.u32 @p1 s2, $0xA;
	s0 =	sshrl.u32 @p1 s0, $0xA  }
0x1e: {  	s3 =	ssub.s32 @p1 $0x0, s3;
	s2 =	sand.u32 @p1 $0x3F, s2;
	[sflag:s7] =	ssyncadd.s32 $0xFFFF9C00  }
0x1f: {  	s0 =	sand.u32 @p1 $0x3F, s0;
	s3 =	sand.u32 @p1 $0xFF, s3;
	s2 =	smul.u32 @p1 $0x19, s2  }
0x20: {  	[bflag:$0x0] =	sbarrier.arrive $0xFFFF;
	s0 =	smul.u32 @p1 $0x19, s0;
	s3 =	sshll.u32 @p1 s3, $0xE  }
0x21: {  	s7 =	smul.u32 $0x29, s14;
	_ =	swait.ge @p1 [sflag:s8], $0x4000;
	s3 =	sadd.s32 @p1 s3, s4  }
0x22: {  	s2 =	ssub.s32 @p1 $0x0, s2;
	[sflag:s8] =	ssyncset.done @p1 $0x0;
	s0 =	ssub.s32 @p1 $0x0, s0  }
0x23: {  	s2 =	sadd.s32 @p1 $0x1, s2;
	[sflag:s8] =	ssyncadd.s32 @p1 $0xFFFFC000;
	s0 =	sadd.s32 @p1 $0x2, s0  }
0x24: {  	[tilespmem:s9], [sflag:$0x1] =	stream.linear.gather @p1 [spmem:s3], $0x4000, $0x38;
	[tilespmem:$0x1C800] =	vst v63  }
0x25: {  	s8 =	simm.s32 @p1 $0xB;
	s2 =	sand.u32 @p1 $0xFF, s2;
	_ =	swait.ge @p1 [sflag:s10], $0x4000  }
0x26: {  	s0 =	sand.u32 @p1 $0xFF, s0;
	s2 =	sshll.u32 @p1 s2, $0xE;
	[sflag:s10] =	ssyncset.done @p1 $0x0  }
0x27: {  	s3 =	simm.s32 @p1 $0xA400;
	s2 =	sadd.s32 @p1 s2, s4;
	[sflag:s10] =	ssyncadd.s32 @p1 $0xFFFFC000  }
0x28: {  	[tilespmem:s3], [sflag:$0x2] =	stream.linear.gather @p1 [spmem:s2], $0x4000, $0x38;
	[tilespmem:$0x1C800] =	vst v63  }
0x29: {  	s12 =	simm.s32 @p1 $0x80;
	s0 =	sshll.u32 @p1 s0, $0xE;
	_ =	swait.ge @p1 [sflag:s8], $0x4000  }
0x2a: {  	s15 =	sshrl.u32 s7, $0xA;
	s0 =	sadd.s32 @p1 s0, s4;
	[sflag:s8] =	ssyncset.done @p1 $0x0  }
0x2b: {  	s3 =	simm.s32 @p1 $0xE400;
	[sflag:s8] =	ssyncadd.s32 @p1 $0xFFFFC000;
	s8 =	simm.s32 @p1 $0xC  }
0x2c: {  	[tilespmem:s3], [sflag:$0x3] =	stream.linear.gather @p1 [spmem:s0], $0x4000, $0x38;
	[tilespmem:$0x1C800] =	vst v63  }
0x2d: {  	s12 =	simm.s32 @!p1 $0x80;
	s2 =	smul.u32 $0x19, s15;
	_ =	swait.ge @p1 [sflag:s8], $0x4000  }
0x2e: {  	s23 =	sshll.u32 s20, $0x4;
	s19 =	sadd.s32 s6, s12;
	[sflag:s8] =	ssyncset.done @p1 $0x0  }
0x2f: {  	s16 =	ssub.s32 s11, s2;
	s2 =	simm.s32 @!p1 $0x6400;
	[sflag:s8] =	ssyncadd.s32 @p1 $0xFFFFC000  }
0x30: {  	[tilespmem:s2], [sflag:$0x1] =	stream.linear.gather @!p1 [spmem:s4], $0x4000, $0x38;
	[tilespmem:$0x1C800] =	vst v63  }
0x31: {  	s0 =	sand.u32 $0xFF, s16;
	s3 =	rddreg [dreg:$0x6];
	s2 =	simm.s32 @!p1 $0xA400  }
0x32: {  	[tilespmem:s2], [sflag:$0x2] =	stream.linear.gather @!p1 [spmem:s3], $0x4000, $0x38;
	[tilespmem:$0x1C800] =	vst v63  }
0x33: {  	s0 =	sshll.u32 s0, $0xE;
	s8 =	rddreg [dreg:$0x7];
	s2 =	simm.s32 @!p1 $0xE400  }
0x34: {  	[tilespmem:s2], [sflag:$0x3] =	stream.linear.gather @!p1 [spmem:s8], $0x4000, $0x38;
	[tilespmem:$0x1C800] =	vst v63  }
0x35: {  	s28 =	sshll.u32 s19, $0x4;
	s14 =	simm.s32 $0x80;
	s0 =	sadd.s32 s0, s4  }
0x36: {  	[tilespmem:s13], [sflag:$0x4] =	stream.linear.gather [spmem:s0], $0x4000, $0x38;
	[tilespmem:$0x1C800] =	vst v63  }
0x37: {  	s7 =	simm.s32 $0x4;
	s10 =	simm.s32 $0x8;
	_ =	swait.ge [sflag:s24], $0x4000  }
0x38: {  	s16 =	simm.s32 $0x2;
	p1 =	por $0x1, $0x1;
	[sflag:s24] =	ssyncset.done $0x0  }
0x39: {  	s2 =	simm.s32 $0x300;
	s30 =	smul.u32 @p1 $0x29, s7;
	[sflag:s24] =	ssyncadd.s32 $0xFFFFC000  }
0x3a: {  	s8 =	simm.s32 @p1 $0x7;
	s0 =	simm.s32 $0x200;
	s1 =	rddreg [dreg:$0x2]  }
0x3b: {  	[tilespmem:s17], [sflag:$0x5] =	stream.indirect.gather.add.f32 [hbm:s1], $0x80, s5, s14, $0xb8;
	[tilespmem:$0x1C800] =	vst v63  }
0x3c: {  	s13 =	sand.u32 @p1 $0xFF, s7;
	s15 =	rddreg [dreg:$0xa];
	_ =	swait.ge [sflag:s16], $0x4000  }
0x3d: {  	s8 =	simm.s32 @!p1 $0x3;
	s26 =	rddreg [dreg:$0x3];
	[sflag:s16] =	ssyncset.done $0x0  }
0x3e: {  	s13 =	smul.u32 @p1 $0x29, s13;
	s29 =	sand.u32 $0xFF, s8;
	[sflag:s16] =	ssyncadd.s32 $0xFFFFC000  }
0x3f: {  	[tilespmem:s18], [sflag:$0x6] =	stream.indirect.gather.add.f32 [hbm:s1], $0x80, s12, s14, $0xb8;
	[tilespmem:$0x1C800] =	vst v63  }
0x40: {  	s3 =	sadd.s32 $0x2000, s15;
	s17 =	sadd.s32 @p1 $0x52, s30;
	_ =	swait.ge [sflag:s31], $0x4000  }
0x41: {  	s9 =	sadd.s32 s26, s23;
	s12 =	smul.u32 $0x29, s29;
	[sflag:s31] =	ssyncset.done $0x0  }
.LBB2_2:
0x42: {  	s23 =	simm.s32 $0x3  }
0x43: {  	[sflag:s23] =	ssyncadd.s32 $0xFFFFC000  }
0x44: {  	s1 =	simm.s32 $0x80;
	s24 =	simm.s32 $0xE400;
	s5 =	rddreg [dreg:$0x2]  }
0x45: {  	[tilespmem:s24], [sflag:$0x7] =	stream.indirect.gather.add.f32 [hbm:s5], $0x80, s25, s1, $0xb8;
	[tilespmem:$0x1C800] =	vst v63  }
0x46: {  	_ =	swait.ge [sflag:s21], $0x4000  }
0x47: {  	s26 =	sadd.s32 @p1 $0xFFFFFF80, s2;
	s31 =	smov.u32 s2;
	[sflag:s21] =	ssyncset.done $0x0  }
0x48: {  	s11 =	sshll.u32 s11, $0x7;
	s20 =	simm.s32 $0x12400;
	[sflag:s21] =	ssyncadd.s32 $0xFFFFC000  }
0x49: {  	[tilespmem:s20], [sflag:$0x8] =	stream.indirect.gather.add.f32 [hbm:s5], $0x80, s11, s1, $0xb8;
	[tilespmem:$0x1C800] =	vst v63  }
0x4a: {  	s19 =	smov.u32 s10;
	s29 =	smov.u32 s0;
	_ =	swait.ge [sflag:s22], $0x4000  }
0x4b: {  	s14 =	simm.s32 $0x0;
	s18 =	simm.s32 $0x6;
	[sflag:s22] =	ssyncset.done $0x0  }
0x4c: {  	s17 =	sshrl.u32 @p1 s17, $0xA;
	s21 =	simm.s32 $0x6400;
	[sflag:s22] =	ssyncadd.s32 $0xFFFFC000  }
0x4d: {  	[hbm4b:s15+s14] =	stream.linear.scatter [tilespmem:s21], [sflag:$0x9], $0x4000, $0x38;
	[tilespmem:$0x1C800] =	vst v63  }
0x4e: {  	s10 =	sadd.s32 $0x4, s10;
	s0 =	sadd.s32 $0x200, s0;
	_ =	swait.ge [sflag:s18], $0x4000  }
0x4f: {  	s31 =	simm.s32 @!p1 $0x100;
	s25 =	sadd.s32 @p1 $0x29, s30;
	[sflag:s18] =	ssyncset.done $0x0  }
0x50: {  	s25 =	sshrl.u32 @p1 s25, $0xA;
	s22 =	sadd.s32 s6, s31;
	[sflag:s18] =	ssyncadd.s32 $0xFFFFC000  }
0x51: {  	s15 =	sand.u32 @p1 $0x3F, s25;
	s30 =	sshll.u32 s22, $0x4;
	s18 =	rddreg [dreg:$0x3]  }
0x52: {  	s22 =	simm.s32 $0xA400;
	s25 =	sadd.s32 s18, s28;
	s28 =	simm.s32 $0x7  }
0x53: {  	[hbm4b:s25+s14] =	stream.linear.scatter [tilespmem:s22], [sflag:$0xA], $0x4000, $0x38;
	[tilespmem:$0x1C800] =	vst v63  }
0x54: {  	s2 =	sadd.s32 $0x200, s2;
	s13 =	sshrl.u32 @p1 s13, $0xA;
	_ =	swait.ge [sflag:s28], $0x4000  }
0x55: {  	s12 =	sshrl.u32 s12, $0xA;
	s13 =	smul.u32 @p1 $0x19, s13;
	[sflag:s28] =	ssyncset.done $0x0  }
0x56: {  	s17 =	sand.u32 @p1 $0x3F, s17;
	s15 =	smul.u32 @p1 $0x19, s15;
	[sflag:s28] =	ssyncadd.s32 $0xFFFFC000  }
0x57: {  	[hbm4b:s9+s14] =	stream.linear.scatter [tilespmem:s24], [sflag:$0xB], $0x4000, $0x38;
	[tilespmem:$0x1C800] =	vst v63  }
0x58: {  	s17 =	smul.u32 @p1 $0x19, s17;
	s13 =	ssub.s32 @p1 s7, s13;
	s24 =	simm.s32 $0x8  }
0x59: {  	s11 =	sadd.s32 s6, s11;
	s15 =	ssub.s32 @p1 s7, s15;
	_ =	swait.ge [sflag:s24], $0x4000  }
0x5a: {  	s11 =	sshll.u32 s11, $0x4;
	s15 =	sadd.s32 @p1 $0x1, s15;
	[sflag:s24] =	ssyncset.done $0x0  }
0x5b: {  	s11 =	sadd.s32 s18, s11;
	s25 =	simm.s32 @p1 $0x9;
	[sflag:s24] =	ssyncadd.s32 $0xFFFFC000  }
0x5c: {  	[hbm4b:s11+s14] =	stream.linear.scatter [tilespmem:s20], [sflag:$0xC], $0x4000, $0x38;
	[tilespmem:$0x1C800] =	vst v63  }
0x5d: {  	s13 =	sand.u32 @p1 $0xFF, s13;
	s15 =	sand.u32 @p1 $0xFF, s15;
	_ =	swait.ge @p1 [sflag:s25], $0x4000  }
0x5e: {  	s28 =	simm.s32 @p1 $0xA;
	s11 =	sshll.u32 @p1 s13, $0xE;
	[sflag:s25] =	ssyncset.done @p1 $0x0  }
0x5f: {  	s9 =	simm.s32 @p1 $0x6400;
	s11 =	sadd.s32 @p1 s11, s4;
	[sflag:s25] =	ssyncadd.s32 @p1 $0xFFFFC000  }
0x60: {  	[tilespmem:s9], [sflag:$0x1] =	stream.linear.gather @p1 [spmem:s11], $0x4000, $0x38;
	[tilespmem:$0x1C800] =	vst v63  }
0x61: {  	s7 =	ssub.s32 @p1 s7, s17;
	s15 =	sshll.u32 @p1 s15, $0xE;
	_ =	swait.ge @p1 [sflag:s28], $0x4000  }
0x62: {  	s7 =	sadd.s32 @p1 $0x2, s7;
	s15 =	sadd.s32 @p1 s15, s4;
	[sflag:s28] =	ssyncset.done @p1 $0x0  }
0x63: {  	s9 =	simm.s32 @p1 $0xA400;
	s11 =	simm.s32 @p1 $0xB;
	[sflag:s28] =	ssyncadd.s32 @p1 $0xFFFFC000  }
0x64: {  	[tilespmem:s9], [sflag:$0x2] =	stream.linear.gather @p1 [spmem:s15], $0x4000, $0x38;
	[tilespmem:$0x1C800] =	vst v63  }
0x65: {  	s12 =	smul.u32 $0x19, s12;
	s7 =	sand.u32 @p1 $0xFF, s7;
	_ =	swait.ge @p1 [sflag:s11], $0x4000  }
0x66: {  	s17 =	simm.s32 @p1 $0xE400;
	s7 =	sshll.u32 @p1 s7, $0xE;
	[sflag:s11] =	ssyncset.done @p1 $0x0  }
0x67: {  	s13 =	sadd.s32 @p1 s7, s4;
	s9 =	simm.s32 @p1 $0xC;
	[sflag:s11] =	ssyncadd.s32 @p1 $0xFFFFC000  }
0x68: {  	[tilespmem:s17], [sflag:$0x3] =	stream.linear.gather @p1 [spmem:s13], $0x4000, $0x38;
	[tilespmem:$0x1C800] =	vst v63  }
0x69: {  	s26 =	simm.s32 @!p1 $0x80;
	p2 =	sne.s32 s10, $0xC8;
	_ =	swait.ge @p1 [sflag:s9], $0x4000  }
0x6a: {  	s16 =	sadd.s32 s6, s26;
	s12 =	ssub.s32 s8, s12;
	[sflag:s9] =	ssyncset.done @p1 $0x0  }
0x6b: {  	s11 =	smov.u32 s8;
	s8 =	simm.s32 @!p1 $0x6400;
	[sflag:s9] =	ssyncadd.s32 @p1 $0xFFFFC000  }
0x6c: {  	[tilespmem:s8], [sflag:$0x1] =	stream.linear.gather @!p1 [spmem:s4], $0x4000, $0x38;
	[tilespmem:$0x1C800] =	vst v63  }
0x6d: {  	s12 =	sand.u32 $0xFF, s12;
	s9 =	rddreg [dreg:$0x6];
	s8 =	simm.s32 @!p1 $0xA400  }
0x6e: {  	[tilespmem:s8], [sflag:$0x2] =	stream.linear.gather @!p1 [spmem:s9], $0x4000, $0x38;
	[tilespmem:$0x1C800] =	vst v63  }
0x6f: {  	s12 =	sshll.u32 s12, $0xE;
	s13 =	rddreg [dreg:$0x7];
	s8 =	simm.s32 @!p1 $0xE400  }
0x70: {  	[tilespmem:s8], [sflag:$0x3] =	stream.linear.gather @!p1 [spmem:s13], $0x4000, $0x38;
	[tilespmem:$0x1C800] =	vst v63  }
0x71: {  	s16 =	sshll.u32 s16, $0x4;
	s12 =	sadd.s32 s12, s4;
	s24 =	simm.s32 $0x1  }
0x72: {  	[tilespmem:s20], [sflag:$0x4] =	stream.linear.gather [spmem:s12], $0x4000, $0x38;
	[tilespmem:$0x1C800] =	vst v63  }
0x73: {  	s7 =	smov.u32 s19;
	s25 =	smov.u32 s31;
	_ =	swait.ge [sflag:s24], $0x4000  }
0x74: {  	s28 =	smov.u32 s16;
	s15 =	smov.u32 s3;
	[sflag:s24] =	ssyncset.done $0x0  }
0x75: {  	s3 =	sadd.s32 $0x2000, s3;
	p1 =	sne.s32 s7, $0x0;
	[sflag:s24] =	ssyncadd.s32 $0xFFFFC000  }
0x76: {  	[tilespmem:s21], [sflag:$0x5] =	stream.indirect.gather.add.f32 [hbm:s5], $0x80, s29, s1, $0xb8;
	[tilespmem:$0x1C800] =	vst v63  }
0x77: {  	s9 =	sadd.s32 s18, s30;
	s30 =	smul.u32 @p1 $0x29, s7;
	s29 =	simm.s32 $0x2  }
0x78: {  	s8 =	sadd.s32 @p1 $0x3, s7;
	s12 =	sand.u32 @p1 $0xFF, s7;
	_ =	swait.ge [sflag:s29], $0x4000  }
.Ltmp0:
0x79: {  	s8 =	simm.s32 @!p1 $0x3;
	[sflag:s29] =	ssyncset.done $0x0;
	(pc) =	sbr.rel @p2 .LBB2_2-.Ltmp0, $4  }
0x7a: {  	s13 =	smul.u32 @p1 $0x29, s12;
	s31 =	sand.u32 $0xFF, s8;
	[sflag:s29] =	ssyncadd.s32 $0xFFFFC000  }
0x7b: {  	[tilespmem:s22], [sflag:$0x6] =	stream.indirect.gather.add.f32 [hbm:s5], $0x80, s26, s1, $0xb8;
	[tilespmem:$0x1C800] =	vst v63  }
0x7c: {  	s17 =	sadd.s32 @p1 $0x52, s30;
	s12 =	smul.u32 $0x29, s31;
	_ =	swait.ge [sflag:s23], $0x4000  }
0x7d: {  	s21 =	simm.s32 $0x4;
	s22 =	simm.s32 $0x5;
	[sflag:s23] =	ssyncset.done $0x0  }
0x7e: {  	s20 =	simm.s32 $0x3  }
0x7f: {  	[sflag:s20] =	ssyncadd.s32 $0xFFFFC000  }
0x80: {  	s1 =	simm.s32 $0x80;
	s24 =	simm.s32 $0xE400;
	s5 =	rddreg [dreg:$0x2]  }
0x81: {  	[tilespmem:s24], [sflag:$0x7] =	stream.indirect.gather.add.f32 [hbm:s5], $0x80, s25, s1, $0xb8;
	[tilespmem:$0x1C800] =	vst v63  }
0x82: {  	_ =	swait.ge [sflag:s21], $0x4000  }
0x83: {  	[sflag:s21] =	ssyncset.done $0x0  }
0x84: {  	s10 =	sshll.u32 s11, $0x7;
	s16 =	simm.s32 $0x12400;
	[sflag:s21] =	ssyncadd.s32 $0xFFFFC000  }
0x85: {  	[tilespmem:s16], [sflag:$0x8] =	stream.indirect.gather.add.f32 [hbm:s5], $0x80, s10, s1, $0xb8;
	[tilespmem:$0x1C800] =	vst v63  }
0x86: {  	_ =	swait.ge [sflag:s22], $0x4000  }
0x87: {  	s18 =	simm.s32 $0x6400;
	[sflag:s22] =	ssyncset.done $0x0  }
0x88: {  	s23 =	simm.s32 $0x0;
	s26 =	simm.s32 $0x6;
	[sflag:s22] =	ssyncadd.s32 $0xFFFFC000  }
0x89: {  	[hbm4b:s15+s23] =	stream.linear.scatter [tilespmem:s18], [sflag:$0x9], $0x4000, $0x38;
	[tilespmem:$0x1C800] =	vst v63  }
0x8a: {  	_ =	swait.ge [sflag:s26], $0x4000  }
0x8b: {  	[sflag:s26] =	ssyncset.done $0x0  }
0x8c: {  	[sflag:s26] =	ssyncadd.s32 $0xFFFFC000  }
0x8d: {  	s15 =	rddreg [dreg:$0x3]  }
0x8e: {  	s19 =	simm.s32 $0xA400;
	s25 =	sadd.s32 s15, s28;
	s28 =	simm.s32 $0x7  }
0x8f: {  	[hbm4b:s25+s23] =	stream.linear.scatter [tilespmem:s19], [sflag:$0xA], $0x4000, $0x38;
	[tilespmem:$0x1C800] =	vst v63  }
0x90: {  	_ =	swait.ge [sflag:s28], $0x4000  }
0x91: {  	s11 =	sshrl.u32 @p1 s13, $0xA;
	[sflag:s28] =	ssyncset.done $0x0  }
0x92: {  	s14 =	simm.s32 $0x8;
	s11 =	smul.u32 @p1 $0x19, s11;
	[sflag:s28] =	ssyncadd.s32 $0xFFFFC000  }
0x93: {  	[hbm4b:s9+s23] =	stream.linear.scatter [tilespmem:s24], [sflag:$0xB], $0x4000, $0x38;
	[tilespmem:$0x1C800] =	vst v63  }
0x94: {  	s29 =	sadd.s32 s6, s10;
	_ =	swait.ge [sflag:s14], $0x4000  }
0x95: {  	s11 =	ssub.s32 @p1 s7, s11;
	s9 =	sshll.u32 s29, $0x4;
	[sflag:s14] =	ssyncset.done $0x0  }
0x96: {  	s10 =	sadd.s32 @p1 $0x29, s30;
	s9 =	sadd.s32 s15, s9;
	[sflag:s14] =	ssyncadd.s32 $0xFFFFC000  }
0x97: {  	[hbm4b:s9+s23] =	stream.linear.scatter [tilespmem:s16], [sflag:$0xC], $0x4000, $0x38;
	[tilespmem:$0x1C800] =	vst v63  }
0x98: {  	s11 =	sand.u32 @p1 $0xFF, s11;
	s9 =	sshrl.u32 @p1 s10, $0xA;
	s10 =	simm.s32 @p1 $0x9  }
0x99: {  	s11 =	sshll.u32 @p1 s11, $0xE;
	_ =	swait.ge @p1 [sflag:s10], $0x4000  }
0x9a: {  	s11 =	sadd.s32 @p1 s11, s4;
	s9 =	sand.u32 @p1 $0x3F, s9;
	[sflag:s10] =	ssyncset.done @p1 $0x0  }
0x9b: {  	s9 =	smul.u32 @p1 $0x19, s9;
	[sflag:s10] =	ssyncadd.s32 @p1 $0xFFFFC000;
	s10 =	simm.s32 @p1 $0x6400  }
0x9c: {  	[tilespmem:s10], [sflag:$0x1] =	stream.linear.gather @p1 [spmem:s11], $0x4000, $0x38;
	[tilespmem:$0x1C800] =	vst v63  }
0x9d: {  	s9 =	ssub.s32 @p1 s7, s9;
	s10 =	simm.s32 @p1 $0xA;
	s11 =	sshrl.u32 @p1 s17, $0xA  }
0x9e: {  	s9 =	sadd.s32 @p1 $0x1, s9;
	_ =	swait.ge @p1 [sflag:s10], $0x4000;
	s11 =	sand.u32 @p1 $0x3F, s11  }
0x9f: {  	s9 =	sand.u32 @p1 $0xFF, s9;
	[sflag:s10] =	ssyncset.done @p1 $0x0;
	s11 =	smul.u32 @p1 $0x19, s11  }
0xa0: {  	s9 =	sshll.u32 @p1 s9, $0xE;
	[sflag:s10] =	ssyncadd.s32 @p1 $0xFFFFC000  }
0xa1: {  	s10 =	simm.s32 @p1 $0xA400;
	s9 =	sadd.s32 @p1 s9, s4;
	s7 =	ssub.s32 @p1 s7, s11  }
0xa2: {  	[tilespmem:s10], [sflag:$0x2] =	stream.linear.gather @p1 [spmem:s9], $0x4000, $0x38;
	[tilespmem:$0x1C800] =	vst v63  }
0xa3: {  	s7 =	sadd.s32 @p1 $0x2, s7;
	s9 =	simm.s32 @p1 $0xB  }
0xa4: {  	s7 =	sand.u32 @p1 $0xFF, s7;
	_ =	swait.ge @p1 [sflag:s9], $0x4000  }
0xa5: {  	s7 =	sshll.u32 @p1 s7, $0xE;
	[sflag:s9] =	ssyncset.done @p1 $0x0  }
0xa6: {  	s7 =	sadd.s32 @p1 s7, s4;
	[sflag:s9] =	ssyncadd.s32 @p1 $0xFFFFC000;
	s9 =	simm.s32 @p1 $0xE400  }
0xa7: {  	[tilespmem:s9], [sflag:$0x3] =	stream.linear.gather @p1 [spmem:s7], $0x4000, $0x38;
	[tilespmem:$0x1C800] =	vst v63  }
0xa8: {  	s7 =	simm.s32 @p1 $0xC  }
0xa9: {  	_ =	swait.ge @p1 [sflag:s7], $0x4000  }
0xaa: {  	[sflag:s7] =	ssyncset.done @p1 $0x0  }
0xab: {  	s9 =	simm.s32 @!p1 $0x6400;
	[sflag:s7] =	ssyncadd.s32 @p1 $0xFFFFC000  }
0xac: {  	[tilespmem:s9], [sflag:$0x1] =	stream.linear.gather @!p1 [spmem:s4], $0x4000, $0x38;
	[tilespmem:$0x1C800] =	vst v63  }
0xad: {  	s31 =	sshrl.u32 s12, $0xA;
	s7 =	rddreg [dreg:$0x6];
	s9 =	simm.s32 @!p1 $0xA400  }
0xae: {  	[tilespmem:s9], [sflag:$0x2] =	stream.linear.gather @!p1 [spmem:s7], $0x4000, $0x38;
	[tilespmem:$0x1C800] =	vst v63  }
0xaf: {  	s10 =	simm.s32 @!p1 $0xE400;
	s7 =	rddreg [dreg:$0x7];
	s9 =	smul.u32 $0x19, s31  }
0xb0: {  	[tilespmem:s10], [sflag:$0x3] =	stream.linear.gather @!p1 [spmem:s7], $0x4000, $0x38;
	[tilespmem:$0x1C800] =	vst v63  }
0xb1: {  	s10 =	ssub.s32 s8, s9  }
0xb2: {  	s7 =	sand.u32 $0xFF, s10  }
0xb3: {  	s7 =	sshll.u32 s7, $0xE  }
0xb4: {  	s11 =	simm.s32 $0x1;
	s7 =	sadd.s32 s7, s4  }
0xb5: {  	[tilespmem:s16], [sflag:$0x4] =	stream.linear.gather [spmem:s7], $0x4000, $0x38;
	[tilespmem:$0x1C800] =	vst v63  }
0xb6: {  	_ =	swait.ge [sflag:s11], $0x4000  }
0xb7: {  	[sflag:s11] =	ssyncset.done $0x0  }
0xb8: {  	s12 =	simm.s32 $0x2;
	[sflag:s11] =	ssyncadd.s32 $0xFFFFC000  }
0xb9: {  	[tilespmem:s18], [sflag:$0x5] =	stream.indirect.gather.add.f32 [hbm:s5], $0x80, s0, s1, $0xb8;
	[tilespmem:$0x1C800] =	vst v63  }
0xba: {  	_ =	swait.ge [sflag:s12], $0x4000  }
0xbb: {  	s0 =	sadd.s32 @p1 $0xFFFFFF80, s2;
	[sflag:s12] =	ssyncset.done $0x0  }
0xbc: {  	s0 =	simm.s32 @!p1 $0x80;
	[sflag:s12] =	ssyncadd.s32 $0xFFFFC000  }
0xbd: {  	[tilespmem:s19], [sflag:$0x6] =	stream.indirect.gather.add.f32 [hbm:s5], $0x80, s0, s1, $0xb8;
	[tilespmem:$0x1C800] =	vst v63  }
0xbe: {  	_ =	swait.ge [sflag:s20], $0x4000  }
0xbf: {  	[sflag:s20] =	ssyncset.done $0x0  }
0xc0: {  	s2 =	simm.s32 @!p1 $0x100;
	[sflag:s20] =	ssyncadd.s32 $0xFFFFC000  }
0xc1: {  	[tilespmem:s24], [sflag:$0x7] =	stream.indirect.gather.add.f32 [hbm:s5], $0x80, s2, s1, $0xb8;
	[tilespmem:$0x1C800] =	vst v63  }
0xc2: {  	_ =	swait.ge [sflag:s21], $0x4000  }
0xc3: {  	[sflag:s21] =	ssyncset.done $0x0  }
0xc4: {  	s13 =	sshll.u32 s8, $0x7;
	[sflag:s21] =	ssyncadd.s32 $0xFFFFC000  }
0xc5: {  	[tilespmem:s16], [sflag:$0x8] =	stream.indirect.gather.add.f32 [hbm:s5], $0x80, s13, s1, $0xb8;
	[tilespmem:$0x1C800] =	vst v63  }
0xc6: {  	_ =	swait.ge [sflag:s22], $0x4000  }
0xc7: {  	[sflag:s22] =	ssyncset.done $0x0  }
0xc8: {  	[sflag:s22] =	ssyncadd.s32 $0xFFFFC000  }
0xc9: {  	[hbm4b:s3+s23] =	stream.linear.scatter [tilespmem:s18], [sflag:$0x9], $0x4000, $0x38;
	[tilespmem:$0x1C800] =	vst v63  }
0xca: {  	s0 =	sadd.s32 s6, s0;
	_ =	swait.ge [sflag:s26], $0x4000  }
0xcb: {  	s0 =	sshll.u32 s0, $0x4;
	[sflag:s26] =	ssyncset.done $0x0  }
0xcc: {  	s0 =	sadd.s32 s15, s0;
	[sflag:s26] =	ssyncadd.s32 $0xFFFFC000  }
0xcd: {  	[hbm4b:s0+s23] =	stream.linear.scatter [tilespmem:s19], [sflag:$0xA], $0x4000, $0x38;
	[tilespmem:$0x1C800] =	vst v63  }
0xce: {  	s20 =	sadd.s32 s6, s2;
	_ =	swait.ge [sflag:s28], $0x4000  }
0xcf: {  	s0 =	sshll.u32 s20, $0x4;
	[sflag:s28] =	ssyncset.done $0x0  }
0xd0: {  	s0 =	sadd.s32 s15, s0;
	[sflag:s28] =	ssyncadd.s32 $0xFFFFC000  }
0xd1: {  	[hbm4b:s0+s23] =	stream.linear.scatter [tilespmem:s24], [sflag:$0xB], $0x4000, $0x38;
	[tilespmem:$0x1C800] =	vst v63  }
0xd2: {  	s24 =	sadd.s32 s6, s13;
	_ =	swait.ge [sflag:s14], $0x4000  }
0xd3: {  	s0 =	sshll.u32 s24, $0x4;
	[sflag:s14] =	ssyncset.done $0x0  }
0xd4: {  	s25 =	simm.s32 $0x9;
	s0 =	sadd.s32 s15, s0;
	[sflag:s14] =	ssyncadd.s32 $0xFFFFC000  }
0xd5: {  	[hbm4b:s0+s23] =	stream.linear.scatter [tilespmem:s16], [sflag:$0xC], $0x4000, $0x38;
	[tilespmem:$0x1C800] =	vst v63  }
0xd6: {  	_ =	swait.ge [sflag:s25], $0x4000  }
0xd7: {  	[sflag:s25] =	ssyncset.done $0x0  }
0xd8: {  	s26 =	simm.s32 $0xA;
	[sflag:s25] =	ssyncadd.s32 $0xFFFFC000  }
0xd9: {  	_ =	swait.ge [sflag:s26], $0x4000  }
0xda: {  	[sflag:s26] =	ssyncset.done $0x0  }
0xdb: {  	s28 =	simm.s32 $0xB;
	[sflag:s26] =	ssyncadd.s32 $0xFFFFC000  }
0xdc: {  	_ =	swait.ge [sflag:s28], $0x4000  }
0xdd: {  	[sflag:s28] =	ssyncset.done $0x0  }
0xde: {  	s29 =	simm.s32 $0xC;
	[sflag:s28] =	ssyncadd.s32 $0xFFFFC000  }
0xdf: {  	_ =	swait.ge [sflag:s29], $0x4000  }
0xe0: {  	s30 =	rddreg [dreg:$0xc]  }
0xe1: {  	s31 =	rddreg [dreg:$0x9];
	s2 =	sadd.s32 $0x1, s30  }
0xe2: {  	p1 =	sne.s32 s2, s31  }
.Ltmp1:
0xe3: {  	_ = 	snop;
	(pc) =	sbr.rel @p1 .LBB2_1-.Ltmp1, $3  }
0xe4: {  	_ =	sdelay $0x1  }
0xe5: {  	s17 =	simm.s32 $0x6400;
	[sflag:s29] =	ssyncset.done $0x0  }
0xe6: {  	s18 =	simm.s32 $0xA400;
	s13 =	simm.s32 $0x12400;
	[sflag:s29] =	ssyncadd.s32 $0xFFFFC000  }
0xe7: {  	_ =	sfence.sel $0x180000  }
0xe8: {  	[bflag:$0x0] =	sbarrier.arrive $0xFFFF  }
0xe9: {  	_ =	strace $0x90000047  }
0xea: {  	[bflag:$0x2] =	sbarrier.arrive $0xFFFF  }
0xeb: {  	s0 =	rddreg [dreg:$0x5]  }
0xec: {  	s0 =	sadd.s32 @!p0 $0x100000, s0  }
0xed: {  	[sflag:s0] =	ssyncadd.tile.s32 @!p0 $0x1;
	_ =	shalt  }
.Lfunc_end2:
_tile_overlayer_lowered:
.L_overlay_start_2:
0xee: {  	(tag) =	ssettag $0x2  }
0xef: {  	s0 =	rddreg [dreg:$0x0];
	s2 =	stileid.u32  }
0xf0: {  	s1 =	rddreg [dreg:$0x1];
	p0 =	sne.s32 s2, $0x0  }
0xf1: {  	s3 =	rddreg [dreg:$0x2];
	[bflag:$0x3] =	sbarrier.arrive $0xFFFF;
	s2 =	simm.s32 @!p0 $0x1C0D  }
0xf2: {  	[timem:s3], [sflag:s2] =	dma.local @!p0 [hbm:s0], s1  }
0xf3: {  	s0 =	simm.s32 @!p0 $0xD  }
0xf4: {  	_ =	swait.ge @!p0 [sflag:s0], s1  }
0xf5: {  	s1 =	ssub.s32 @!p0 $0x0, s1;
	[sflag:s0] =	ssyncset.done @!p0 $0x0  }
0xf6: {  	[sflag:s0] =	ssyncadd.s32 @!p0 s1  }
0xf7: {  	[bflag:$0x3] =	sbarrier.arrive $0xFFFF  }
0xf8: {  	_ =	shalt  }

</sc_bundles>
